<compile_context>
chip_gen: v7x
topology: tpu7x:2x2x1
jax: 0.10.2.dev20260603
libtpu: 0.0.44.dev20260713+nightly
codegen_flags: <defaults>
</compile_context>

<pallas_src>
import functools

import jax
import jax.numpy as jnp
from jax import lax
from jax.experimental import pallas as pl
from jax.experimental.pallas import tpu as pltpu
from jax.experimental.pallas import tpu_sc as plsc

_MARGIN = 0.5
_N = 16384
_NSUB = 16
_CHUNK = _N // _NSUB
_VREGS = _CHUNK // 16
_K = 2048
_KP = _K + 16
_KSUB = _K // _NSUB
_LO = -11.0
_HI = 10.5
_SCALE = float(_K) / (_HI - _LO)


def _iota16():
    return lax.iota(jnp.int32, 16)


def _sc_body(scores_hbm, labels_hbm, out_hbm,
             sbuf, lbuf, hcnt, hsum, rbc, rbs, redc, reds, sufc, sufs, sufv,
             row16, zbuf, outv, statv, dma_sem,
             sh_tot, sh_parts, sh_hist, sh_suf):
    wid = lax.axis_index("s")
    cid = lax.axis_index("c")
    iota = _iota16()

    base = pl.multiple_of(wid * _CHUNK, _CHUNK)
    cp_s = pltpu.async_copy(scores_hbm.at[pl.ds(base, _CHUNK)], sbuf, dma_sem)
    cp_l = pltpu.async_copy(labels_hbm.at[pl.ds(base, _CHUNK)], lbuf, dma_sem)
    zbuf[...] = jnp.zeros((16,), jnp.float32)
    zv = jnp.zeros((16,), jnp.float32)

    def zero_step(i, _):
        off = pl.multiple_of(i * 64, 64)
        for u in range(4):
            hcnt[pl.ds(off + u * 16, 16)] = zv
            hsum[pl.ds(off + u * 16, 16)] = zv
        return 0

    lax.fori_loop(0, _K // 64, zero_step, 0)
    cp_s.wait()
    cp_l.wait()

    ones = jnp.full((16,), 1.0, jnp.float32)

    def col(c):
        return plsc.load_gather(statv, [iota, jnp.full((16,), c, jnp.int32)])

    one_v = jnp.full((16,), 1.0, jnp.float32)

    def hist_step(v, cpos):
        off = pl.multiple_of(v * 16, 16)
        s = sbuf[pl.ds(off, 16)]
        l = lbuf[pl.ds(off, 16)]
        neg = l == 0
        b = ((s - _LO) * _SCALE).astype(jnp.int32)
        b = jnp.minimum(jnp.maximum(b, 0), _K - 1)
        plsc.addupdate_scatter(hcnt, [b], one_v, mask=neg)
        plsc.addupdate_scatter(hsum, [b], s, mask=neg)
        return cpos + jnp.where(neg, 0.0, 1.0)

    cpos = lax.fori_loop(0, _VREGS, hist_step,
                         jnp.zeros((16,), jnp.float32))
    lpos = jnp.sum(cpos)
    st_c = pltpu.async_copy(hcnt, sh_hist.at[wid, 0], dma_sem)
    st_s = pltpu.async_copy(hsum, sh_hist.at[wid, 1], dma_sem)
    st_c.wait()
    st_s.wait()
    plsc.subcore_barrier()

    bbase = pl.multiple_of(wid * _KSUB, _KSUB)

    def fire_step(t, _):
        pltpu.async_copy(sh_hist.at[t, 0, pl.ds(bbase, _KSUB)], rbc.at[t],
                         dma_sem)
        pltpu.async_copy(sh_hist.at[t, 1, pl.ds(bbase, _KSUB)], rbs.at[t],
                         dma_sem)
        return 0

    lax.fori_loop(0, _NSUB, fire_step, 0)

    def drain_step(t, _):
        pltpu.make_async_copy(sh_hist.at[t, 0, pl.ds(bbase, _KSUB)],
                              rbc.at[t], dma_sem).wait()
        pltpu.make_async_copy(sh_hist.at[t, 1, pl.ds(bbase, _KSUB)],
                              rbs.at[t], dma_sem).wait()
        return 0

    lax.fori_loop(0, _NSUB, drain_step, 0)

    def red_step(i, carry):
        tcv, tsv = carry
        off = pl.multiple_of(i * 16, 16)
        accc = rbc[0, pl.ds(off, 16)]
        accs = rbs[0, pl.ds(off, 16)]
        for t in range(1, _NSUB):
            accc += rbc[t, pl.ds(off, 16)]
            accs += rbs[t, pl.ds(off, 16)]
        redc[pl.ds(off, 16)] = accc
        reds[pl.ds(off, 16)] = accs
        return (tcv + accc, tsv + accs)

    tcv, tsv = lax.fori_loop(0, _KSUB // 16, red_step,
                             (jnp.zeros((16,), jnp.float32),
                              jnp.zeros((16,), jnp.float32)))
    tcnt = jnp.sum(tcv)
    tsum = jnp.sum(tsv)
    row16[...] = jnp.where(iota == 0, tcnt,
                           jnp.where(iota == 1, tsum, 0.0))
    pltpu.sync_copy(row16, sh_tot.at[wid])
    plsc.subcore_barrier()

    pltpu.sync_copy(sh_tot, statv)
    above = iota > wid
    carry_c = jnp.sum(jnp.where(above, col(0), 0.0))
    carry_s = jnp.sum(jnp.where(above, col(1), 0.0))

    def suf_step(vd, carry):
        cc, cs = carry
        v = _KSUB // 16 - 1 - vd
        off = pl.multiple_of(v * 16, 16)
        x = redc[pl.ds(off, 16)]
        y = lax.rev(plsc.cumsum(lax.rev(x, (0,))), (0,))
        sufc[pl.ds(off, 16)] = y + cc
        x2 = reds[pl.ds(off, 16)]
        y2 = lax.rev(plsc.cumsum(lax.rev(x2, (0,))), (0,))
        sufs[pl.ds(off, 16)] = y2 + cs
        return (cc + jnp.sum(x), cs + jnp.sum(x2))

    lax.fori_loop(0, _KSUB // 16, suf_step, (carry_c, carry_s))
    pltpu.sync_copy(sufc, sh_suf.at[0, pl.ds(bbase, _KSUB)])
    pltpu.sync_copy(sufs, sh_suf.at[1, pl.ds(bbase, _KSUB)])

    @pl.when(wid == 0)
    def _pad_tail():
        pltpu.sync_copy(zbuf, sh_suf.at[0, pl.ds(_K, 16)])
        pltpu.sync_copy(zbuf, sh_suf.at[1, pl.ds(_K, 16)])

    plsc.subcore_barrier()

    pltpu.sync_copy(sh_suf, sufv)
    zeros_i = jnp.zeros((16,), jnp.int32)
    ones_i = jnp.full((16,), 1, jnp.int32)

    def query_step(v, acc):
        off = pl.multiple_of(v * 16, 16)
        s = sbuf[pl.ds(off, 16)]
        l = lbuf[pl.ds(off, 16)]
        pos = l == 1
        t = s - _MARGIN
        b = ((t - _LO) * _SCALE).astype(jnp.int32)
        b = jnp.minimum(jnp.maximum(b, 0), _K - 1)
        q = b + 1
        cq = plsc.load_gather(sufv, [zeros_i, q])
        sq = plsc.load_gather(sufv, [ones_i, q])
        return acc + jnp.where(pos, cq * (0.0 - t) + sq, 0.0)

    acc = lax.fori_loop(0, _VREGS, query_step,
                        jnp.zeros((16,), jnp.float32))
    part = jnp.sum(acc)
    row16[...] = jnp.where(iota == 0, part,
                           jnp.where(iota == 1, ones * lpos, 0.0))
    pltpu.sync_copy(row16, sh_parts.at[wid])
    plsc.subcore_barrier()

    @pl.when((wid == 0) & (cid == 0))
    def _finish():
        pltpu.sync_copy(sh_parts, statv)
        total = jnp.sum(col(0))
        npos = jnp.sum(col(1))
        nneg = jnp.float32(_N) - npos
        denom_v = ones * (npos * nneg)
        result = jnp.where(denom_v > 0.0,
                           (ones * total) / jnp.maximum(denom_v, 1.0), 0.0)
        outv[...] = jnp.where(iota == 0, result, 0.0)
        pltpu.sync_copy(outv, out_hbm)


@jax.jit
def _pairwise_hinge_sc(scores, labels):
    labels = labels.astype(jnp.int32)
    mesh = plsc.VectorSubcoreMesh(core_axis_name="c", subcore_axis_name="s",
                                  num_cores=1)
    f32 = jnp.float32
    run = functools.partial(
        pl.kernel,
        out_type=jax.ShapeDtypeStruct((16,), f32),
        mesh=mesh,
        compiler_params=pltpu.CompilerParams(needs_layout_passes=False),
        scratch_types=[
            pltpu.VMEM((_CHUNK,), f32),
            pltpu.VMEM((_CHUNK,), jnp.int32),
            pltpu.VMEM((_K,), f32),
            pltpu.VMEM((_K,), f32),
            pltpu.VMEM((_NSUB, _KSUB), f32),
            pltpu.VMEM((_NSUB, _KSUB), f32),
            pltpu.VMEM((_KSUB,), f32),
            pltpu.VMEM((_KSUB,), f32),
            pltpu.VMEM((_KSUB,), f32),
            pltpu.VMEM((_KSUB,), f32),
            pltpu.VMEM((2, _KP), f32),
            pltpu.VMEM((16,), f32),
            pltpu.VMEM((16,), f32),
            pltpu.VMEM((16,), f32),
            pltpu.VMEM((16, 16), f32),
            pltpu.SemaphoreType.DMA,
            pltpu.VMEM_SHARED((16, 16), f32),
            pltpu.VMEM_SHARED((16, 16), f32),
            pltpu.VMEM_SHARED((16, 2, _K), f32),
            pltpu.VMEM_SHARED((2, _KP), f32),
        ],
    )(_sc_body)
    return run(scores, labels)[0]


def kernel(scores, labels):
    return _pairwise_hinge_sc(scores, labels)

# --- scband reference (transcript-rebuilt; emitter-appended) ---
"""Pipeline reference for scband-pairwise-ranking-loss-hinge-11227044511975 (READ-ONLY COPY).

The authoritative reference and input builder live on the scoring server;
editing this copy changes nothing except your own understanding.
"""

import jax, jax.numpy as jnp
import numpy as np

MARGIN = 0.5

def setup_inputs(seed: int = 0) -> dict:
    key = jax.random.key(seed)
    k1, k2 = jax.random.split(key)
    scores = jax.random.normal(k1, (16384,), dtype=jnp.float32)
    labels = jax.random.randint(k2, (16384,), 0, 2, dtype=jnp.int64)
    return {"scores": scores, "labels": labels}

def reference(scores, labels):
    pos_mask = (labels == 1)
    neg_mask = (labels == 0)
    n_pos = jnp.sum(pos_mask)
    n_neg = jnp.sum(neg_mask)
    diff = MARGIN - (scores[:, None] - scores[None, :])
    loss = jax.nn.relu(diff)
    pair_mask = pos_mask[:, None] & neg_mask[None, :]
    masked_sum = jnp.sum(jnp.where(pair_mask, loss, jnp.zeros_like(loss)))
    denom = (n_pos * n_neg).astype(loss.dtype)
    safe_denom = jnp.where(denom > 0, denom, jnp.ones_like(denom))
    mean_loss = masked_sum / safe_denom
    fallback = scores.sum() * 0.0
    return jnp.where(denom > 0, mean_loss, fallback)

if __name__ == "__main__":
    import jax
    _d = setup_inputs()
    print(jax.jit(kernel)(*tuple(_d.values())))

</pallas_src>

<mosaic_0001>
#map = affine_map<(d0, d1) -> (0)>
module attributes {stable_mosaic.version = 14 : i64} {
  func.func @_sc_body(%arg0: i32, %arg1: i32, %arg2: memref<16384xf32, #tpu.memory_space<hbm>>, %arg3: memref<16384xi32, #tpu.memory_space<hbm>>, %arg4: memref<16xf32, #tpu.memory_space<hbm>>, %arg5: memref<1024xf32, #tpu.memory_space<vmem>>, %arg6: memref<1024xi32, #tpu.memory_space<vmem>>, %arg7: memref<2048xf32, #tpu.memory_space<vmem>>, %arg8: memref<2048xf32, #tpu.memory_space<vmem>>, %arg9: memref<16x128xf32, #tpu.memory_space<vmem>>, %arg10: memref<16x128xf32, #tpu.memory_space<vmem>>, %arg11: memref<128xf32, #tpu.memory_space<vmem>>, %arg12: memref<128xf32, #tpu.memory_space<vmem>>, %arg13: memref<128xf32, #tpu.memory_space<vmem>>, %arg14: memref<128xf32, #tpu.memory_space<vmem>>, %arg15: memref<2x2064xf32, #tpu.memory_space<vmem>>, %arg16: memref<16xf32, #tpu.memory_space<vmem>>, %arg17: memref<16xf32, #tpu.memory_space<vmem>>, %arg18: memref<16xf32, #tpu.memory_space<vmem>>, %arg19: memref<16x16xf32, #tpu.memory_space<vmem>>, %arg20: memref<!tpu.dma_semaphore, #tpu.memory_space<semaphore_mem>>, %arg21: memref<16x16xf32, #tpu.memory_space<vmem_shared>>, %arg22: memref<16x16xf32, #tpu.memory_space<vmem_shared>>, %arg23: memref<16x2x2048xf32, #tpu.memory_space<vmem_shared>>, %arg24: memref<2x2064xf32, #tpu.memory_space<vmem_shared>>) attributes {dimension_semantics = [#tpu.dimension_semantics<core_parallel>, #tpu.dimension_semantics<subcore_parallel>], iteration_bounds = array<i64: 1, 16>, scalar_prefetch = 0 : i64, scratch_operands = 20 : i64, tpu.core_type = #tpu.core_type<sc_vector_subcore>, window_params = [{transform_indices = #map}, {transform_indices = #map}, {transform_indices = #map}]} {
    %iota3A = tpu.iota {dimensions = array<i32: 0>} : vector<16xi32>
    %mul3A = arith.constant 1024 : i32
    %mul3A_0 = arith.muli %arg1, %mul3A : i32
    %multiple_of3A = tpu.assume_multiple %mul3A_0, 1024 : i32
    %dma_start3A = tpu.memref_slice %arg2[%multiple_of3A] : memref<16384xf32, #tpu.memory_space<hbm>> -> memref<1024xf32, #tpu.memory_space<hbm>>
    %dma_start3A_1 = tpu.memref_slice %arg2[%multiple_of3A] : memref<16384xf32, #tpu.memory_space<hbm>> -> memref<1024xf32, #tpu.memory_space<hbm>>
    tpu.enqueue_dma source(%dma_start3A_1 : memref<1024xf32, #tpu.memory_space<hbm>>) target(%arg5 : memref<1024xf32, #tpu.memory_space<vmem>>) target_semaphore(%arg20 : memref<!tpu.dma_semaphore, #tpu.memory_space<semaphore_mem>>)
    %dma_start3A_2 = tpu.memref_slice %arg3[%multiple_of3A] : memref<16384xi32, #tpu.memory_space<hbm>> -> memref<1024xi32, #tpu.memory_space<hbm>>
    %dma_start3A_3 = tpu.memref_slice %arg3[%multiple_of3A] : memref<16384xi32, #tpu.memory_space<hbm>> -> memref<1024xi32, #tpu.memory_space<hbm>>
    tpu.enqueue_dma source(%dma_start3A_3 : memref<1024xi32, #tpu.memory_space<hbm>>) target(%arg6 : memref<1024xi32, #tpu.memory_space<vmem>>) target_semaphore(%arg20 : memref<!tpu.dma_semaphore, #tpu.memory_space<semaphore_mem>>)
    %broadcast_in_dim3A = arith.constant 0.000000e+00 : f32
    %broadcast_in_dim3A_4 = vector.broadcast %broadcast_in_dim3A : f32 to vector<16xf32>
    %swap3A = arith.constant 0 : index
    %swap3A_5 = tpu.vector_load %arg17[%swap3A] {strides = array<i32>} : memref<16xf32, #tpu.memory_space<vmem>>, vector<16xf32>,
    tpu.vector_store %arg17[%swap3A], %broadcast_in_dim3A_4 {strides = array<i32>} : memref<16xf32, #tpu.memory_space<vmem>>, vector<16xf32>,
    %broadcast_in_dim3A_6 = arith.constant 0.000000e+00 : f32
    %broadcast_in_dim3A_7 = vector.broadcast %broadcast_in_dim3A_6 : f32 to vector<16xf32>
    %scan3A = arith.constant 0 : i32
    %scan3A_8 = arith.constant 0 : i32
    %scan3A_9 = arith.constant 32 : i32
    %scan3A_10 = arith.addi %scan3A_8, %scan3A_9 : i32
    %scan3A_11 = arith.constant 1 : i32
    %scan3A_12 = scf.for %scan3A_177 = %scan3A_8 to %scan3A_10 step %scan3A_11 iter_args(%scan3A_178 = %scan3A) -> (i32)  : i32 {
      %mul3A_179 = arith.constant 64 : i32
      %mul3A_180 = arith.muli %scan3A_177, %mul3A_179 : i32
      %multiple_of3A_181 = tpu.assume_multiple %mul3A_180, 64 : i32
      %add3A = arith.constant 0 : i32
      %add3A_182 = arith.addi %multiple_of3A_181, %add3A : i32
      %swap3A_183 = arith.index_cast %add3A_182 : i32 to index
      %swap3A_184 = tpu.vector_load %arg7[%swap3A_183] {strides = array<i32>} : memref<2048xf32, #tpu.memory_space<vmem>>, vector<16xf32>,
      tpu.vector_store %arg7[%swap3A_183], %broadcast_in_dim3A_7 {strides = array<i32>} : memref<2048xf32, #tpu.memory_space<vmem>>, vector<16xf32>,
      %add3A_185 = arith.constant 0 : i32
      %add3A_186 = arith.addi %multiple_of3A_181, %add3A_185 : i32
      %swap3A_187 = arith.index_cast %add3A_186 : i32 to index
      %swap3A_188 = tpu.vector_load %arg8[%swap3A_187] {strides = array<i32>} : memref<2048xf32, #tpu.memory_space<vmem>>, vector<16xf32>,
      tpu.vector_store %arg8[%swap3A_187], %broadcast_in_dim3A_7 {strides = array<i32>} : memref<2048xf32, #tpu.memory_space<vmem>>, vector<16xf32>,
      %add3A_189 = arith.constant 16 : i32
      %add3A_190 = arith.addi %multiple_of3A_181, %add3A_189 : i32
      %swap3A_191 = arith.index_cast %add3A_190 : i32 to index
      %swap3A_192 = tpu.vector_load %arg7[%swap3A_191] {strides = array<i32>} : memref<2048xf32, #tpu.memory_space<vmem>>, vector<16xf32>,
      tpu.vector_store %arg7[%swap3A_191], %broadcast_in_dim3A_7 {strides = array<i32>} : memref<2048xf32, #tpu.memory_space<vmem>>, vector<16xf32>,
      %add3A_193 = arith.constant 16 : i32
      %add3A_194 = arith.addi %multiple_of3A_181, %add3A_193 : i32
      %swap3A_195 = arith.index_cast %add3A_194 : i32 to index
      %swap3A_196 = tpu.vector_load %arg8[%swap3A_195] {strides = array<i32>} : memref<2048xf32, #tpu.memory_space<vmem>>, vector<16xf32>,
      tpu.vector_store %arg8[%swap3A_195], %broadcast_in_dim3A_7 {strides = array<i32>} : memref<2048xf32, #tpu.memory_space<vmem>>, vector<16xf32>,
      %add3A_197 = arith.constant 32 : i32
      %add3A_198 = arith.addi %multiple_of3A_181, %add3A_197 : i32
      %swap3A_199 = arith.index_cast %add3A_198 : i32 to index
      %swap3A_200 = tpu.vector_load %arg7[%swap3A_199] {strides = array<i32>} : memref<2048xf32, #tpu.memory_space<vmem>>, vector<16xf32>,
      tpu.vector_store %arg7[%swap3A_199], %broadcast_in_dim3A_7 {strides = array<i32>} : memref<2048xf32, #tpu.memory_space<vmem>>, vector<16xf32>,
      %add3A_201 = arith.constant 32 : i32
      %add3A_202 = arith.addi %multiple_of3A_181, %add3A_201 : i32
      %swap3A_203 = arith.index_cast %add3A_202 : i32 to index
      %swap3A_204 = tpu.vector_load %arg8[%swap3A_203] {strides = array<i32>} : memref<2048xf32, #tpu.memory_space<vmem>>, vector<16xf32>,
      tpu.vector_store %arg8[%swap3A_203], %broadcast_in_dim3A_7 {strides = array<i32>} : memref<2048xf32, #tpu.memory_space<vmem>>, vector<16xf32>,
      %add3A_205 = arith.constant 48 : i32
      %add3A_206 = arith.addi %multiple_of3A_181, %add3A_205 : i32
      %swap3A_207 = arith.index_cast %add3A_206 : i32 to index
      %swap3A_208 = tpu.vector_load %arg7[%swap3A_207] {strides = array<i32>} : memref<2048xf32, #tpu.memory_space<vmem>>, vector<16xf32>,
      tpu.vector_store %arg7[%swap3A_207], %broadcast_in_dim3A_7 {strides = array<i32>} : memref<2048xf32, #tpu.memory_space<vmem>>, vector<16xf32>,
      %add3A_209 = arith.constant 48 : i32
      %add3A_210 = arith.addi %multiple_of3A_181, %add3A_209 : i32
      %swap3A_211 = arith.index_cast %add3A_210 : i32 to index
      %swap3A_212 = tpu.vector_load %arg8[%swap3A_211] {strides = array<i32>} : memref<2048xf32, #tpu.memory_space<vmem>>, vector<16xf32>,
      tpu.vector_store %arg8[%swap3A_211], %broadcast_in_dim3A_7 {strides = array<i32>} : memref<2048xf32, #tpu.memory_space<vmem>>, vector<16xf32>,
      %scan3A_213 = arith.constant 0 : i32
      scf.yield %scan3A_213 : i32
    }
    %scan3A_13 = arith.constant 32 : i32
    %dma_wait3A = tpu.memref_slice %arg2[%multiple_of3A] : memref<16384xf32, #tpu.memory_space<hbm>> -> memref<1024xf32, #tpu.memory_space<hbm>>
    %dma_wait3A_14 = tpu.memref_slice %arg2[%multiple_of3A] : memref<16384xf32, #tpu.memory_space<hbm>> -> memref<1024xf32, #tpu.memory_space<hbm>>
    tpu.wait_dma2 semaphore(%arg20 : memref<!tpu.dma_semaphore, #tpu.memory_space<semaphore_mem>>) src(%dma_wait3A_14 : memref<1024xf32, #tpu.memory_space<hbm>>) dst(%arg5 : memref<1024xf32, #tpu.memory_space<vmem>>)
    %dma_wait3A_15 = tpu.memref_slice %arg3[%multiple_of3A] : memref<16384xi32, #tpu.memory_space<hbm>> -> memref<1024xi32, #tpu.memory_space<hbm>>
    %dma_wait3A_16 = tpu.memref_slice %arg3[%multiple_of3A] : memref<16384xi32, #tpu.memory_space<hbm>> -> memref<1024xi32, #tpu.memory_space<hbm>>
    tpu.wait_dma2 semaphore(%arg20 : memref<!tpu.dma_semaphore, #tpu.memory_space<semaphore_mem>>) src(%dma_wait3A_16 : memref<1024xi32, #tpu.memory_space<hbm>>) dst(%arg6 : memref<1024xi32, #tpu.memory_space<vmem>>)
    %broadcast_in_dim3A_17 = arith.constant 1.000000e+00 : f32
    %broadcast_in_dim3A_18 = vector.broadcast %broadcast_in_dim3A_17 : f32 to vector<16xf32>
    %broadcast_in_dim3A_19 = arith.constant 1.000000e+00 : f32
    %broadcast_in_dim3A_20 = vector.broadcast %broadcast_in_dim3A_19 : f32 to vector<16xf32>
    %broadcast_in_dim3A_21 = arith.constant 0.000000e+00 : f32
    %broadcast_in_dim3A_22 = vector.broadcast %broadcast_in_dim3A_21 : f32 to vector<16xf32>
    %scan3A_23 = arith.constant 0 : i32
    %scan3A_24 = arith.constant 64 : i32
    %scan3A_25 = arith.addi %scan3A_23, %scan3A_24 : i32
    %scan3A_26 = arith.constant 1 : i32
    %scan3A_27 = scf.for %scan3A_177 = %scan3A_23 to %scan3A_25 step %scan3A_26 iter_args(%scan3A_178 = %broadcast_in_dim3A_22) -> (vector<16xf32>)  : i32 {
      %mul3A_179 = arith.constant 16 : i32
      %mul3A_180 = arith.muli %scan3A_177, %mul3A_179 : i32
      %multiple_of3A_181 = tpu.assume_multiple %mul3A_180, 16 : i32
      %get3A = arith.index_cast %multiple_of3A_181 : i32 to index
      %get3A_182 = tpu.vector_load %arg5[%get3A] {strides = array<i32>} : memref<1024xf32, #tpu.memory_space<vmem>>, vector<16xf32>,
      %get3A_183 = arith.index_cast %multiple_of3A_181 : i32 to index
      %get3A_184 = tpu.vector_load %arg6[%get3A_183] {strides = array<i32>} : memref<1024xi32, #tpu.memory_space<vmem>>, vector<16xi32>,
      %eq3A_185 = arith.constant 0 : i32
      %eq3A_186 = vector.broadcast %eq3A_185 : i32 to vector<16xi32>
      %eq3A_187 = arith.cmpi eq, %get3A_184, %eq3A_186 : vector<16xi32>
      %sub3A = arith.constant -1.100000e+01 : f32
      %sub3A_188 = vector.broadcast %sub3A : f32 to vector<16xf32>
      %sub3A_189 = arith.subf %get3A_182, %sub3A_188 : vector<16xf32>
      %mul3A_190 = arith.constant 95.2558135 : f32
      %mul3A_191 = vector.broadcast %mul3A_190 : f32 to vector<16xf32>
      %mul3A_192 = arith.mulf %sub3A_189, %mul3A_191 : vector<16xf32>
      %convert_element_type3A_193 = arith.fptosi %mul3A_192 : vector<16xf32> to vector<16xi32>
      %max3A = arith.constant 0 : i32
      %max3A_194 = vector.broadcast %max3A : i32 to vector<16xi32>
      %max3A_195 = arith.maxsi %convert_element_type3A_193, %max3A_194 : vector<16xi32>
      %min3A = arith.constant 2047 : i32
      %min3A_196 = vector.broadcast %min3A : i32 to vector<16xi32>
      %min3A_197 = arith.minsi %max3A_195, %min3A_196 : vector<16xi32>
      tpu.vector_store_idx %arg7[%min3A_197], %broadcast_in_dim3A_20 masked %eq3A_187 {add = true} : memref<2048xf32, #tpu.memory_space<vmem>>[vector<16xi32>], vector<16xf32>, vector<16xi1>
      tpu.vector_store_idx %arg8[%min3A_197], %get3A_182 masked %eq3A_187 {add = true} : memref<2048xf32, #tpu.memory_space<vmem>>[vector<16xi32>], vector<16xf32>, vector<16xi1>
      %jit3A_198 = arith.constant 0.000000e+00 : f32
      %jit3A_199 = arith.constant 1.000000e+00 : f32
      %broadcast_in_dim3A_200 = vector.broadcast %jit3A_198 : f32 to vector<16xf32>
      %broadcast_in_dim3A_201 = vector.broadcast %jit3A_199 : f32 to vector<16xf32>
      %select_n3A_202 = arith.select %eq3A_187, %broadcast_in_dim3A_200, %broadcast_in_dim3A_201 : vector<16xi1>, vector<16xf32>
      %add3A = arith.addf %scan3A_178, %select_n3A_202 : vector<16xf32>
      scf.yield %add3A : vector<16xf32>
    }
    %scan3A_28 = arith.constant 64 : i32
    %reduce_sum3A = arith.constant true
    %reduce_sum3A_29 = vector.broadcast %reduce_sum3A : i1 to vector<16xi1>
    %reduce_sum3A_30 = tpu.scan <sum>, %scan3A_27 masked %reduce_sum3A_29 : vector<16xf32>, vector<16xi1> -> vector<16xf32>
    %reduce_sum3A_31 = vector.extract %reduce_sum3A_30[15] : f32 from vector<16xf32>
    %dma_start3A_32 = arith.constant 0 : i32
    %dma_start3A_33 = arith.constant 0 : i32
    %dma_start3A_34 = tpu.memref_slice %arg23[%arg1, %dma_start3A_32, %dma_start3A_33] : memref<16x2x2048xf32, #tpu.memory_space<vmem_shared>> -> memref<1x1x2048xf32, #tpu.memory_space<vmem_shared>>
    %dma_start3A_35 = tpu.memref_squeeze %dma_start3A_34 : memref<1x1x2048xf32, #tpu.memory_space<vmem_shared>> -> memref<2048xf32, #tpu.memory_space<vmem_shared>>
    %dma_start3A_36 = arith.constant 0 : i32
    %dma_start3A_37 = tpu.memref_slice %arg23[%arg1, %dma_start3A_32, %dma_start3A_36] : memref<16x2x2048xf32, #tpu.memory_space<vmem_shared>> -> memref<1x1x2048xf32, #tpu.memory_space<vmem_shared>>
    %dma_start3A_38 = tpu.memref_squeeze %dma_start3A_37 : memref<1x1x2048xf32, #tpu.memory_space<vmem_shared>> -> memref<2048xf32, #tpu.memory_space<vmem_shared>>
    tpu.enqueue_dma source(%arg7 : memref<2048xf32, #tpu.memory_space<vmem>>) target(%dma_start3A_38 : memref<2048xf32, #tpu.memory_space<vmem_shared>>) target_semaphore(%arg20 : memref<!tpu.dma_semaphore, #tpu.memory_space<semaphore_mem>>)
    %dma_start3A_39 = arith.constant 1 : i32
    %dma_start3A_40 = arith.constant 0 : i32
    %dma_start3A_41 = tpu.memref_slice %arg23[%arg1, %dma_start3A_39, %dma_start3A_40] : memref<16x2x2048xf32, #tpu.memory_space<vmem_shared>> -> memref<1x1x2048xf32, #tpu.memory_space<vmem_shared>>
    %dma_start3A_42 = tpu.memref_squeeze %dma_start3A_41 : memref<1x1x2048xf32, #tpu.memory_space<vmem_shared>> -> memref<2048xf32, #tpu.memory_space<vmem_shared>>
    %dma_start3A_43 = arith.constant 0 : i32
    %dma_start3A_44 = tpu.memref_slice %arg23[%arg1, %dma_start3A_39, %dma_start3A_43] : memref<16x2x2048xf32, #tpu.memory_space<vmem_shared>> -> memref<1x1x2048xf32, #tpu.memory_space<vmem_shared>>
    %dma_start3A_45 = tpu.memref_squeeze %dma_start3A_44 : memref<1x1x2048xf32, #tpu.memory_space<vmem_shared>> -> memref<2048xf32, #tpu.memory_space<vmem_shared>>
    tpu.enqueue_dma source(%arg8 : memref<2048xf32, #tpu.memory_space<vmem>>) target(%dma_start3A_45 : memref<2048xf32, #tpu.memory_space<vmem_shared>>) target_semaphore(%arg20 : memref<!tpu.dma_semaphore, #tpu.memory_space<semaphore_mem>>)
    %dma_wait3A_46 = arith.constant 0 : i32
    %dma_wait3A_47 = arith.constant 0 : i32
    %dma_wait3A_48 = tpu.memref_slice %arg23[%arg1, %dma_wait3A_46, %dma_wait3A_47] : memref<16x2x2048xf32, #tpu.memory_space<vmem_shared>> -> memref<1x1x2048xf32, #tpu.memory_space<vmem_shared>>
    %dma_wait3A_49 = tpu.memref_squeeze %dma_wait3A_48 : memref<1x1x2048xf32, #tpu.memory_space<vmem_shared>> -> memref<2048xf32, #tpu.memory_space<vmem_shared>>
    %dma_wait3A_50 = arith.constant 0 : i32
    %dma_wait3A_51 = tpu.memref_slice %arg23[%arg1, %dma_wait3A_46, %dma_wait3A_50] : memref<16x2x2048xf32, #tpu.memory_space<vmem_shared>> -> memref<1x1x2048xf32, #tpu.memory_space<vmem_shared>>
    %dma_wait3A_52 = tpu.memref_squeeze %dma_wait3A_51 : memref<1x1x2048xf32, #tpu.memory_space<vmem_shared>> -> memref<2048xf32, #tpu.memory_space<vmem_shared>>
    tpu.wait_dma2 semaphore(%arg20 : memref<!tpu.dma_semaphore, #tpu.memory_space<semaphore_mem>>) src(%arg7 : memref<2048xf32, #tpu.memory_space<vmem>>) dst(%dma_wait3A_52 : memref<2048xf32, #tpu.memory_space<vmem_shared>>)
    %dma_wait3A_53 = arith.constant 1 : i32
    %dma_wait3A_54 = arith.constant 0 : i32
    %dma_wait3A_55 = tpu.memref_slice %arg23[%arg1, %dma_wait3A_53, %dma_wait3A_54] : memref<16x2x2048xf32, #tpu.memory_space<vmem_shared>> -> memref<1x1x2048xf32, #tpu.memory_space<vmem_shared>>
    %dma_wait3A_56 = tpu.memref_squeeze %dma_wait3A_55 : memref<1x1x2048xf32, #tpu.memory_space<vmem_shared>> -> memref<2048xf32, #tpu.memory_space<vmem_shared>>
    %dma_wait3A_57 = arith.constant 0 : i32
    %dma_wait3A_58 = tpu.memref_slice %arg23[%arg1, %dma_wait3A_53, %dma_wait3A_57] : memref<16x2x2048xf32, #tpu.memory_space<vmem_shared>> -> memref<1x1x2048xf32, #tpu.memory_space<vmem_shared>>
    %dma_wait3A_59 = tpu.memref_squeeze %dma_wait3A_58 : memref<1x1x2048xf32, #tpu.memory_space<vmem_shared>> -> memref<2048xf32, #tpu.memory_space<vmem_shared>>
    tpu.wait_dma2 semaphore(%arg20 : memref<!tpu.dma_semaphore, #tpu.memory_space<semaphore_mem>>) src(%arg8 : memref<2048xf32, #tpu.memory_space<vmem>>) dst(%dma_wait3A_59 : memref<2048xf32, #tpu.memory_space<vmem_shared>>)
    %barrier3A = arith.constant 0 : index
    tpu.barrier barrier_id(%barrier3A)
    %mul3A_60 = arith.constant 128 : i32
    %mul3A_61 = arith.muli %arg1, %mul3A_60 : i32
    %multiple_of3A_62 = tpu.assume_multiple %mul3A_61, 128 : i32
    %scan3A_63 = arith.constant 0 : i32
    %scan3A_64 = arith.constant 0 : i32
    %scan3A_65 = arith.constant 16 : i32
    %scan3A_66 = arith.addi %scan3A_64, %scan3A_65 : i32
    %scan3A_67 = arith.constant 1 : i32
    %scan3A_68 = scf.for %scan3A_177 = %scan3A_64 to %scan3A_66 step %scan3A_67 iter_args(%scan3A_178 = %scan3A_63) -> (i32)  : i32 {
      %dma_start3A_179 = arith.constant 0 : i32
      %dma_start3A_180 = arith.constant 0 : i32
      %dma_start3A_181 = tpu.memref_slice %arg9[%scan3A_177, %dma_start3A_180] : memref<16x128xf32, #tpu.memory_space<vmem>> -> memref<1x128xf32, #tpu.memory_space<vmem>>
      %dma_start3A_182 = tpu.memref_squeeze %dma_start3A_181 : memref<1x128xf32, #tpu.memory_space<vmem>> -> memref<128xf32, #tpu.memory_space<vmem>>
      %dma_start3A_183 = tpu.memref_slice %arg23[%scan3A_177, %dma_start3A_179, %multiple_of3A_62] : memref<16x2x2048xf32, #tpu.memory_space<vmem_shared>> -> memref<1x1x128xf32, #tpu.memory_space<vmem_shared>>
      %dma_start3A_184 = tpu.memref_squeeze %dma_start3A_183 : memref<1x1x128xf32, #tpu.memory_space<vmem_shared>> -> memref<128xf32, #tpu.memory_space<vmem_shared>>
      %dma_start3A_185 = arith.constant 0 : i32
      %dma_start3A_186 = tpu.memref_slice %arg9[%scan3A_177, %dma_start3A_185] : memref<16x128xf32, #tpu.memory_space<vmem>> -> memref<1x128xf32, #tpu.memory_space<vmem>>
      %dma_start3A_187 = tpu.memref_squeeze %dma_start3A_186 : memref<1x128xf32, #tpu.memory_space<vmem>> -> memref<128xf32, #tpu.memory_space<vmem>>
      %dma_start3A_188 = tpu.memref_slice %arg23[%scan3A_177, %dma_start3A_179, %multiple_of3A_62] : memref<16x2x2048xf32, #tpu.memory_space<vmem_shared>> -> memref<1x1x128xf32, #tpu.memory_space<vmem_shared>>
      %dma_start3A_189 = tpu.memref_squeeze %dma_start3A_188 : memref<1x1x128xf32, #tpu.memory_space<vmem_shared>> -> memref<128xf32, #tpu.memory_space<vmem_shared>>
      tpu.enqueue_dma source(%dma_start3A_189 : memref<128xf32, #tpu.memory_space<vmem_shared>>) target(%dma_start3A_187 : memref<128xf32, #tpu.memory_space<vmem>>) target_semaphore(%arg20 : memref<!tpu.dma_semaphore, #tpu.memory_space<semaphore_mem>>)
      %dma_start3A_190 = arith.constant 1 : i32
      %dma_start3A_191 = arith.constant 0 : i32
      %dma_start3A_192 = tpu.memref_slice %arg10[%scan3A_177, %dma_start3A_191] : memref<16x128xf32, #tpu.memory_space<vmem>> -> memref<1x128xf32, #tpu.memory_space<vmem>>
      %dma_start3A_193 = tpu.memref_squeeze %dma_start3A_192 : memref<1x128xf32, #tpu.memory_space<vmem>> -> memref<128xf32, #tpu.memory_space<vmem>>
      %dma_start3A_194 = tpu.memref_slice %arg23[%scan3A_177, %dma_start3A_190, %multiple_of3A_62] : memref<16x2x2048xf32, #tpu.memory_space<vmem_shared>> -> memref<1x1x128xf32, #tpu.memory_space<vmem_shared>>
      %dma_start3A_195 = tpu.memref_squeeze %dma_start3A_194 : memref<1x1x128xf32, #tpu.memory_space<vmem_shared>> -> memref<128xf32, #tpu.memory_space<vmem_shared>>
      %dma_start3A_196 = arith.constant 0 : i32
      %dma_start3A_197 = tpu.memref_slice %arg10[%scan3A_177, %dma_start3A_196] : memref<16x128xf32, #tpu.memory_space<vmem>> -> memref<1x128xf32, #tpu.memory_space<vmem>>
      %dma_start3A_198 = tpu.memref_squeeze %dma_start3A_197 : memref<1x128xf32, #tpu.memory_space<vmem>> -> memref<128xf32, #tpu.memory_space<vmem>>
      %dma_start3A_199 = tpu.memref_slice %arg23[%scan3A_177, %dma_start3A_190, %multiple_of3A_62] : memref<16x2x2048xf32, #tpu.memory_space<vmem_shared>> -> memref<1x1x128xf32, #tpu.memory_space<vmem_shared>>
      %dma_start3A_200 = tpu.memref_squeeze %dma_start3A_199 : memref<1x1x128xf32, #tpu.memory_space<vmem_shared>> -> memref<128xf32, #tpu.memory_space<vmem_shared>>
      tpu.enqueue_dma source(%dma_start3A_200 : memref<128xf32, #tpu.memory_space<vmem_shared>>) target(%dma_start3A_198 : memref<128xf32, #tpu.memory_space<vmem>>) target_semaphore(%arg20 : memref<!tpu.dma_semaphore, #tpu.memory_space<semaphore_mem>>)
      %scan3A_201 = arith.constant 0 : i32
      scf.yield %scan3A_201 : i32
    }
    %scan3A_69 = arith.constant 16 : i32
    %scan3A_70 = arith.constant 0 : i32
    %scan3A_71 = arith.constant 0 : i32
    %scan3A_72 = arith.constant 16 : i32
    %scan3A_73 = arith.addi %scan3A_71, %scan3A_72 : i32
    %scan3A_74 = arith.constant 1 : i32
    %scan3A_75 = scf.for %scan3A_177 = %scan3A_71 to %scan3A_73 step %scan3A_74 iter_args(%scan3A_178 = %scan3A_70) -> (i32)  : i32 {
      %dma_wait3A_179 = arith.constant 0 : i32
      %dma_wait3A_180 = arith.constant 0 : i32
      %dma_wait3A_181 = tpu.memref_slice %arg9[%scan3A_177, %dma_wait3A_180] : memref<16x128xf32, #tpu.memory_space<vmem>> -> memref<1x128xf32, #tpu.memory_space<vmem>>
      %dma_wait3A_182 = tpu.memref_squeeze %dma_wait3A_181 : memref<1x128xf32, #tpu.memory_space<vmem>> -> memref<128xf32, #tpu.memory_space<vmem>>
      %dma_wait3A_183 = tpu.memref_slice %arg23[%scan3A_177, %dma_wait3A_179, %multiple_of3A_62] : memref<16x2x2048xf32, #tpu.memory_space<vmem_shared>> -> memref<1x1x128xf32, #tpu.memory_space<vmem_shared>>
      %dma_wait3A_184 = tpu.memref_squeeze %dma_wait3A_183 : memref<1x1x128xf32, #tpu.memory_space<vmem_shared>> -> memref<128xf32, #tpu.memory_space<vmem_shared>>
      %dma_wait3A_185 = arith.constant 0 : i32
      %dma_wait3A_186 = tpu.memref_slice %arg9[%scan3A_177, %dma_wait3A_185] : memref<16x128xf32, #tpu.memory_space<vmem>> -> memref<1x128xf32, #tpu.memory_space<vmem>>
      %dma_wait3A_187 = tpu.memref_squeeze %dma_wait3A_186 : memref<1x128xf32, #tpu.memory_space<vmem>> -> memref<128xf32, #tpu.memory_space<vmem>>
      %dma_wait3A_188 = tpu.memref_slice %arg23[%scan3A_177, %dma_wait3A_179, %multiple_of3A_62] : memref<16x2x2048xf32, #tpu.memory_space<vmem_shared>> -> memref<1x1x128xf32, #tpu.memory_space<vmem_shared>>
      %dma_wait3A_189 = tpu.memref_squeeze %dma_wait3A_188 : memref<1x1x128xf32, #tpu.memory_space<vmem_shared>> -> memref<128xf32, #tpu.memory_space<vmem_shared>>
      tpu.wait_dma2 semaphore(%arg20 : memref<!tpu.dma_semaphore, #tpu.memory_space<semaphore_mem>>) src(%dma_wait3A_189 : memref<128xf32, #tpu.memory_space<vmem_shared>>) dst(%dma_wait3A_187 : memref<128xf32, #tpu.memory_space<vmem>>)
      %dma_wait3A_190 = arith.constant 1 : i32
      %dma_wait3A_191 = arith.constant 0 : i32
      %dma_wait3A_192 = tpu.memref_slice %arg10[%scan3A_177, %dma_wait3A_191] : memref<16x128xf32, #tpu.memory_space<vmem>> -> memref<1x128xf32, #tpu.memory_space<vmem>>
      %dma_wait3A_193 = tpu.memref_squeeze %dma_wait3A_192 : memref<1x128xf32, #tpu.memory_space<vmem>> -> memref<128xf32, #tpu.memory_space<vmem>>
      %dma_wait3A_194 = tpu.memref_slice %arg23[%scan3A_177, %dma_wait3A_190, %multiple_of3A_62] : memref<16x2x2048xf32, #tpu.memory_space<vmem_shared>> -> memref<1x1x128xf32, #tpu.memory_space<vmem_shared>>
      %dma_wait3A_195 = tpu.memref_squeeze %dma_wait3A_194 : memref<1x1x128xf32, #tpu.memory_space<vmem_shared>> -> memref<128xf32, #tpu.memory_space<vmem_shared>>
      %dma_wait3A_196 = arith.constant 0 : i32
      %dma_wait3A_197 = tpu.memref_slice %arg10[%scan3A_177, %dma_wait3A_196] : memref<16x128xf32, #tpu.memory_space<vmem>> -> memref<1x128xf32, #tpu.memory_space<vmem>>
      %dma_wait3A_198 = tpu.memref_squeeze %dma_wait3A_197 : memref<1x128xf32, #tpu.memory_space<vmem>> -> memref<128xf32, #tpu.memory_space<vmem>>
      %dma_wait3A_199 = tpu.memref_slice %arg23[%scan3A_177, %dma_wait3A_190, %multiple_of3A_62] : memref<16x2x2048xf32, #tpu.memory_space<vmem_shared>> -> memref<1x1x128xf32, #tpu.memory_space<vmem_shared>>
      %dma_wait3A_200 = tpu.memref_squeeze %dma_wait3A_199 : memref<1x1x128xf32, #tpu.memory_space<vmem_shared>> -> memref<128xf32, #tpu.memory_space<vmem_shared>>
      tpu.wait_dma2 semaphore(%arg20 : memref<!tpu.dma_semaphore, #tpu.memory_space<semaphore_mem>>) src(%dma_wait3A_200 : memref<128xf32, #tpu.memory_space<vmem_shared>>) dst(%dma_wait3A_198 : memref<128xf32, #tpu.memory_space<vmem>>)
      %scan3A_201 = arith.constant 0 : i32
      scf.yield %scan3A_201 : i32
    }
    %scan3A_76 = arith.constant 16 : i32
    %broadcast_in_dim3A_77 = arith.constant 0.000000e+00 : f32
    %broadcast_in_dim3A_78 = vector.broadcast %broadcast_in_dim3A_77 : f32 to vector<16xf32>
    %broadcast_in_dim3A_79 = arith.constant 0.000000e+00 : f32
    %broadcast_in_dim3A_80 = vector.broadcast %broadcast_in_dim3A_79 : f32 to vector<16xf32>
    %scan3A_81 = arith.constant 0 : i32
    %scan3A_82 = arith.constant 8 : i32
    %scan3A_83 = arith.addi %scan3A_81, %scan3A_82 : i32
    %scan3A_84 = arith.constant 1 : i32
    %scan3A_85:2 = scf.for %scan3A_177 = %scan3A_81 to %scan3A_83 step %scan3A_84 iter_args(%scan3A_178 = %broadcast_in_dim3A_78, %scan3A_179 = %broadcast_in_dim3A_80) -> (vector<16xf32>, vector<16xf32>)  : i32 {
      %mul3A_180 = arith.constant 16 : i32
      %mul3A_181 = arith.muli %scan3A_177, %mul3A_180 : i32
      %multiple_of3A_182 = tpu.assume_multiple %mul3A_181, 16 : i32
      %get3A = arith.constant 0 : i32
      %get3A_183 = arith.index_cast %get3A : i32 to index
      %get3A_184 = arith.index_cast %multiple_of3A_182 : i32 to index
      %get3A_185 = tpu.vector_load %arg9[%get3A_183, %get3A_184] {strides = array<i32>} : memref<16x128xf32, #tpu.memory_space<vmem>>, vector<16xf32>,
      %get3A_186 = arith.constant 0 : i32
      %get3A_187 = arith.index_cast %get3A_186 : i32 to index
      %get3A_188 = arith.index_cast %multiple_of3A_182 : i32 to index
      %get3A_189 = tpu.vector_load %arg10[%get3A_187, %get3A_188] {strides = array<i32>} : memref<16x128xf32, #tpu.memory_space<vmem>>, vector<16xf32>,
      %get3A_190 = arith.constant 1 : i32
      %get3A_191 = arith.index_cast %get3A_190 : i32 to index
      %get3A_192 = arith.index_cast %multiple_of3A_182 : i32 to index
      %get3A_193 = tpu.vector_load %arg9[%get3A_191, %get3A_192] {strides = array<i32>} : memref<16x128xf32, #tpu.memory_space<vmem>>, vector<16xf32>,
      %add3A = arith.addf %get3A_185, %get3A_193 : vector<16xf32>
      %get3A_194 = arith.constant 1 : i32
      %get3A_195 = arith.index_cast %get3A_194 : i32 to index
      %get3A_196 = arith.index_cast %multiple_of3A_182 : i32 to index
      %get3A_197 = tpu.vector_load %arg10[%get3A_195, %get3A_196] {strides = array<i32>} : memref<16x128xf32, #tpu.memory_space<vmem>>, vector<16xf32>,
      %add3A_198 = arith.addf %get3A_189, %get3A_197 : vector<16xf32>
      %get3A_199 = arith.constant 2 : i32
      %get3A_200 = arith.index_cast %get3A_199 : i32 to index
      %get3A_201 = arith.index_cast %multiple_of3A_182 : i32 to index
      %get3A_202 = tpu.vector_load %arg9[%get3A_200, %get3A_201] {strides = array<i32>} : memref<16x128xf32, #tpu.memory_space<vmem>>, vector<16xf32>,
      %add3A_203 = arith.addf %add3A, %get3A_202 : vector<16xf32>
      %get3A_204 = arith.constant 2 : i32
      %get3A_205 = arith.index_cast %get3A_204 : i32 to index
      %get3A_206 = arith.index_cast %multiple_of3A_182 : i32 to index
      %get3A_207 = tpu.vector_load %arg10[%get3A_205, %get3A_206] {strides = array<i32>} : memref<16x128xf32, #tpu.memory_space<vmem>>, vector<16xf32>,
      %add3A_208 = arith.addf %add3A_198, %get3A_207 : vector<16xf32>
      %get3A_209 = arith.constant 3 : i32
      %get3A_210 = arith.index_cast %get3A_209 : i32 to index
      %get3A_211 = arith.index_cast %multiple_of3A_182 : i32 to index
      %get3A_212 = tpu.vector_load %arg9[%get3A_210, %get3A_211] {strides = array<i32>} : memref<16x128xf32, #tpu.memory_space<vmem>>, vector<16xf32>,
      %add3A_213 = arith.addf %add3A_203, %get3A_212 : vector<16xf32>
      %get3A_214 = arith.constant 3 : i32
      %get3A_215 = arith.index_cast %get3A_214 : i32 to index
      %get3A_216 = arith.index_cast %multiple_of3A_182 : i32 to index
      %get3A_217 = tpu.vector_load %arg10[%get3A_215, %get3A_216] {strides = array<i32>} : memref<16x128xf32, #tpu.memory_space<vmem>>, vector<16xf32>,
      %add3A_218 = arith.addf %add3A_208, %get3A_217 : vector<16xf32>
      %get3A_219 = arith.constant 4 : i32
      %get3A_220 = arith.index_cast %get3A_219 : i32 to index
      %get3A_221 = arith.index_cast %multiple_of3A_182 : i32 to index
      %get3A_222 = tpu.vector_load %arg9[%get3A_220, %get3A_221] {strides = array<i32>} : memref<16x128xf32, #tpu.memory_space<vmem>>, vector<16xf32>,
      %add3A_223 = arith.addf %add3A_213, %get3A_222 : vector<16xf32>
      %get3A_224 = arith.constant 4 : i32
      %get3A_225 = arith.index_cast %get3A_224 : i32 to index
      %get3A_226 = arith.index_cast %multiple_of3A_182 : i32 to index
      %get3A_227 = tpu.vector_load %arg10[%get3A_225, %get3A_226] {strides = array<i32>} : memref<16x128xf32, #tpu.memory_space<vmem>>, vector<16xf32>,
      %add3A_228 = arith.addf %add3A_218, %get3A_227 : vector<16xf32>
      %get3A_229 = arith.constant 5 : i32
      %get3A_230 = arith.index_cast %get3A_229 : i32 to index
      %get3A_231 = arith.index_cast %multiple_of3A_182 : i32 to index
      %get3A_232 = tpu.vector_load %arg9[%get3A_230, %get3A_231] {strides = array<i32>} : memref<16x128xf32, #tpu.memory_space<vmem>>, vector<16xf32>,
      %add3A_233 = arith.addf %add3A_223, %get3A_232 : vector<16xf32>
      %get3A_234 = arith.constant 5 : i32
      %get3A_235 = arith.index_cast %get3A_234 : i32 to index
      %get3A_236 = arith.index_cast %multiple_of3A_182 : i32 to index
      %get3A_237 = tpu.vector_load %arg10[%get3A_235, %get3A_236] {strides = array<i32>} : memref<16x128xf32, #tpu.memory_space<vmem>>, vector<16xf32>,
      %add3A_238 = arith.addf %add3A_228, %get3A_237 : vector<16xf32>
      %get3A_239 = arith.constant 6 : i32
      %get3A_240 = arith.index_cast %get3A_239 : i32 to index
      %get3A_241 = arith.index_cast %multiple_of3A_182 : i32 to index
      %get3A_242 = tpu.vector_load %arg9[%get3A_240, %get3A_241] {strides = array<i32>} : memref<16x128xf32, #tpu.memory_space<vmem>>, vector<16xf32>,
      %add3A_243 = arith.addf %add3A_233, %get3A_242 : vector<16xf32>
      %get3A_244 = arith.constant 6 : i32
      %get3A_245 = arith.index_cast %get3A_244 : i32 to index
      %get3A_246 = arith.index_cast %multiple_of3A_182 : i32 to index
      %get3A_247 = tpu.vector_load %arg10[%get3A_245, %get3A_246] {strides = array<i32>} : memref<16x128xf32, #tpu.memory_space<vmem>>, vector<16xf32>,
      %add3A_248 = arith.addf %add3A_238, %get3A_247 : vector<16xf32>
      %get3A_249 = arith.constant 7 : i32
      %get3A_250 = arith.index_cast %get3A_249 : i32 to index
      %get3A_251 = arith.index_cast %multiple_of3A_182 : i32 to index
      %get3A_252 = tpu.vector_load %arg9[%get3A_250, %get3A_251] {strides = array<i32>} : memref<16x128xf32, #tpu.memory_space<vmem>>, vector<16xf32>,
      %add3A_253 = arith.addf %add3A_243, %get3A_252 : vector<16xf32>
      %get3A_254 = arith.constant 7 : i32
      %get3A_255 = arith.index_cast %get3A_254 : i32 to index
      %get3A_256 = arith.index_cast %multiple_of3A_182 : i32 to index
      %get3A_257 = tpu.vector_load %arg10[%get3A_255, %get3A_256] {strides = array<i32>} : memref<16x128xf32, #tpu.memory_space<vmem>>, vector<16xf32>,
      %add3A_258 = arith.addf %add3A_248, %get3A_257 : vector<16xf32>
      %get3A_259 = arith.constant 8 : i32
      %get3A_260 = arith.index_cast %get3A_259 : i32 to index
      %get3A_261 = arith.index_cast %multiple_of3A_182 : i32 to index
      %get3A_262 = tpu.vector_load %arg9[%get3A_260, %get3A_261] {strides = array<i32>} : memref<16x128xf32, #tpu.memory_space<vmem>>, vector<16xf32>,
      %add3A_263 = arith.addf %add3A_253, %get3A_262 : vector<16xf32>
      %get3A_264 = arith.constant 8 : i32
      %get3A_265 = arith.index_cast %get3A_264 : i32 to index
      %get3A_266 = arith.index_cast %multiple_of3A_182 : i32 to index
      %get3A_267 = tpu.vector_load %arg10[%get3A_265, %get3A_266] {strides = array<i32>} : memref<16x128xf32, #tpu.memory_space<vmem>>, vector<16xf32>,
      %add3A_268 = arith.addf %add3A_258, %get3A_267 : vector<16xf32>
      %get3A_269 = arith.constant 9 : i32
      %get3A_270 = arith.index_cast %get3A_269 : i32 to index
      %get3A_271 = arith.index_cast %multiple_of3A_182 : i32 to index
      %get3A_272 = tpu.vector_load %arg9[%get3A_270, %get3A_271] {strides = array<i32>} : memref<16x128xf32, #tpu.memory_space<vmem>>, vector<16xf32>,
      %add3A_273 = arith.addf %add3A_263, %get3A_272 : vector<16xf32>
      %get3A_274 = arith.constant 9 : i32
      %get3A_275 = arith.index_cast %get3A_274 : i32 to index
      %get3A_276 = arith.index_cast %multiple_of3A_182 : i32 to index
      %get3A_277 = tpu.vector_load %arg10[%get3A_275, %get3A_276] {strides = array<i32>} : memref<16x128xf32, #tpu.memory_space<vmem>>, vector<16xf32>,
      %add3A_278 = arith.addf %add3A_268, %get3A_277 : vector<16xf32>
      %get3A_279 = arith.constant 10 : i32
      %get3A_280 = arith.index_cast %get3A_279 : i32 to index
      %get3A_281 = arith.index_cast %multiple_of3A_182 : i32 to index
      %get3A_282 = tpu.vector_load %arg9[%get3A_280, %get3A_281] {strides = array<i32>} : memref<16x128xf32, #tpu.memory_space<vmem>>, vector<16xf32>,
      %add3A_283 = arith.addf %add3A_273, %get3A_282 : vector<16xf32>
      %get3A_284 = arith.constant 10 : i32
      %get3A_285 = arith.index_cast %get3A_284 : i32 to index
      %get3A_286 = arith.index_cast %multiple_of3A_182 : i32 to index
      %get3A_287 = tpu.vector_load %arg10[%get3A_285, %get3A_286] {strides = array<i32>} : memref<16x128xf32, #tpu.memory_space<vmem>>, vector<16xf32>,
      %add3A_288 = arith.addf %add3A_278, %get3A_287 : vector<16xf32>
      %get3A_289 = arith.constant 11 : i32
      %get3A_290 = arith.index_cast %get3A_289 : i32 to index
      %get3A_291 = arith.index_cast %multiple_of3A_182 : i32 to index
      %get3A_292 = tpu.vector_load %arg9[%get3A_290, %get3A_291] {strides = array<i32>} : memref<16x128xf32, #tpu.memory_space<vmem>>, vector<16xf32>,
      %add3A_293 = arith.addf %add3A_283, %get3A_292 : vector<16xf32>
      %get3A_294 = arith.constant 11 : i32
      %get3A_295 = arith.index_cast %get3A_294 : i32 to index
      %get3A_296 = arith.index_cast %multiple_of3A_182 : i32 to index
      %get3A_297 = tpu.vector_load %arg10[%get3A_295, %get3A_296] {strides = array<i32>} : memref<16x128xf32, #tpu.memory_space<vmem>>, vector<16xf32>,
      %add3A_298 = arith.addf %add3A_288, %get3A_297 : vector<16xf32>
      %get3A_299 = arith.constant 12 : i32
      %get3A_300 = arith.index_cast %get3A_299 : i32 to index
      %get3A_301 = arith.index_cast %multiple_of3A_182 : i32 to index
      %get3A_302 = tpu.vector_load %arg9[%get3A_300, %get3A_301] {strides = array<i32>} : memref<16x128xf32, #tpu.memory_space<vmem>>, vector<16xf32>,
      %add3A_303 = arith.addf %add3A_293, %get3A_302 : vector<16xf32>
      %get3A_304 = arith.constant 12 : i32
      %get3A_305 = arith.index_cast %get3A_304 : i32 to index
      %get3A_306 = arith.index_cast %multiple_of3A_182 : i32 to index
      %get3A_307 = tpu.vector_load %arg10[%get3A_305, %get3A_306] {strides = array<i32>} : memref<16x128xf32, #tpu.memory_space<vmem>>, vector<16xf32>,
      %add3A_308 = arith.addf %add3A_298, %get3A_307 : vector<16xf32>
      %get3A_309 = arith.constant 13 : i32
      %get3A_310 = arith.index_cast %get3A_309 : i32 to index
      %get3A_311 = arith.index_cast %multiple_of3A_182 : i32 to index
      %get3A_312 = tpu.vector_load %arg9[%get3A_310, %get3A_311] {strides = array<i32>} : memref<16x128xf32, #tpu.memory_space<vmem>>, vector<16xf32>,
      %add3A_313 = arith.addf %add3A_303, %get3A_312 : vector<16xf32>
      %get3A_314 = arith.constant 13 : i32
      %get3A_315 = arith.index_cast %get3A_314 : i32 to index
      %get3A_316 = arith.index_cast %multiple_of3A_182 : i32 to index
      %get3A_317 = tpu.vector_load %arg10[%get3A_315, %get3A_316] {strides = array<i32>} : memref<16x128xf32, #tpu.memory_space<vmem>>, vector<16xf32>,
      %add3A_318 = arith.addf %add3A_308, %get3A_317 : vector<16xf32>
      %get3A_319 = arith.constant 14 : i32
      %get3A_320 = arith.index_cast %get3A_319 : i32 to index
      %get3A_321 = arith.index_cast %multiple_of3A_182 : i32 to index
      %get3A_322 = tpu.vector_load %arg9[%get3A_320, %get3A_321] {strides = array<i32>} : memref<16x128xf32, #tpu.memory_space<vmem>>, vector<16xf32>,
      %add3A_323 = arith.addf %add3A_313, %get3A_322 : vector<16xf32>
      %get3A_324 = arith.constant 14 : i32
      %get3A_325 = arith.index_cast %get3A_324 : i32 to index
      %get3A_326 = arith.index_cast %multiple_of3A_182 : i32 to index
      %get3A_327 = tpu.vector_load %arg10[%get3A_325, %get3A_326] {strides = array<i32>} : memref<16x128xf32, #tpu.memory_space<vmem>>, vector<16xf32>,
      %add3A_328 = arith.addf %add3A_318, %get3A_327 : vector<16xf32>
      %get3A_329 = arith.constant 15 : i32
      %get3A_330 = arith.index_cast %get3A_329 : i32 to index
      %get3A_331 = arith.index_cast %multiple_of3A_182 : i32 to index
      %get3A_332 = tpu.vector_load %arg9[%get3A_330, %get3A_331] {strides = array<i32>} : memref<16x128xf32, #tpu.memory_space<vmem>>, vector<16xf32>,
      %add3A_333 = arith.addf %add3A_323, %get3A_332 : vector<16xf32>
      %get3A_334 = arith.constant 15 : i32
      %get3A_335 = arith.index_cast %get3A_334 : i32 to index
      %get3A_336 = arith.index_cast %multiple_of3A_182 : i32 to index
      %get3A_337 = tpu.vector_load %arg10[%get3A_335, %get3A_336] {strides = array<i32>} : memref<16x128xf32, #tpu.memory_space<vmem>>, vector<16xf32>,
      %add3A_338 = arith.addf %add3A_328, %get3A_337 : vector<16xf32>
      %swap3A_339 = arith.index_cast %multiple_of3A_182 : i32 to index
      %swap3A_340 = tpu.vector_load %arg11[%swap3A_339] {strides = array<i32>} : memref<128xf32, #tpu.memory_space<vmem>>, vector<16xf32>,
      tpu.vector_store %arg11[%swap3A_339], %add3A_333 {strides = array<i32>} : memref<128xf32, #tpu.memory_space<vmem>>, vector<16xf32>,
      %swap3A_341 = arith.index_cast %multiple_of3A_182 : i32 to index
      %swap3A_342 = tpu.vector_load %arg12[%swap3A_341] {strides = array<i32>} : memref<128xf32, #tpu.memory_space<vmem>>, vector<16xf32>,
      tpu.vector_store %arg12[%swap3A_341], %add3A_338 {strides = array<i32>} : memref<128xf32, #tpu.memory_space<vmem>>, vector<16xf32>,
      %add3A_343 = arith.addf %scan3A_178, %add3A_333 : vector<16xf32>
      %add3A_344 = arith.addf %scan3A_179, %add3A_338 : vector<16xf32>
      scf.yield %add3A_343, %add3A_344 : vector<16xf32>, vector<16xf32>
    }
    %scan3A_86 = arith.constant 8 : i32
    %reduce_sum3A_87 = arith.constant true
    %reduce_sum3A_88 = vector.broadcast %reduce_sum3A_87 : i1 to vector<16xi1>
    %reduce_sum3A_89 = tpu.scan <sum>, %scan3A_85#0 masked %reduce_sum3A_88 : vector<16xf32>, vector<16xi1> -> vector<16xf32>
    %reduce_sum3A_90 = vector.extract %reduce_sum3A_89[15] : f32 from vector<16xf32>
    %reduce_sum3A_91 = arith.constant true
    %reduce_sum3A_92 = vector.broadcast %reduce_sum3A_91 : i1 to vector<16xi1>
    %reduce_sum3A_93 = tpu.scan <sum>, %scan3A_85#1 masked %reduce_sum3A_92 : vector<16xf32>, vector<16xi1> -> vector<16xf32>
    %reduce_sum3A_94 = vector.extract %reduce_sum3A_93[15] : f32 from vector<16xf32>
    %eq3A = arith.constant 0 : i32
    %eq3A_95 = vector.broadcast %eq3A : i32 to vector<16xi32>
    %eq3A_96 = arith.cmpi eq, %iota3A, %eq3A_95 : vector<16xi32>
    %eq3A_97 = arith.constant 1 : i32
    %eq3A_98 = vector.broadcast %eq3A_97 : i32 to vector<16xi32>
    %eq3A_99 = arith.cmpi eq, %iota3A, %eq3A_98 : vector<16xi32>
    %jit3A = arith.constant 0.000000e+00 : f32
    %broadcast_in_dim3A_100 = vector.broadcast %reduce_sum3A_94 : f32 to vector<16xf32>
    %broadcast_in_dim3A_101 = vector.broadcast %jit3A : f32 to vector<16xf32>
    %select_n3A = arith.select %eq3A_99, %broadcast_in_dim3A_100, %broadcast_in_dim3A_101 : vector<16xi1>, vector<16xf32>
    %broadcast_in_dim3A_102 = vector.broadcast %reduce_sum3A_90 : f32 to vector<16xf32>
    %select_n3A_103 = arith.select %eq3A_96, %broadcast_in_dim3A_102, %select_n3A : vector<16xi1>, vector<16xf32>
    %swap3A_104 = arith.constant 0 : index
    %swap3A_105 = tpu.vector_load %arg16[%swap3A_104] {strides = array<i32>} : memref<16xf32, #tpu.memory_space<vmem>>, vector<16xf32>,
    tpu.vector_store %arg16[%swap3A_104], %select_n3A_103 {strides = array<i32>} : memref<16xf32, #tpu.memory_space<vmem>>, vector<16xf32>,
    "tpu.region"() ({
      %run_scoped3A_177 = tpu.sem_alloc : memref<!tpu.dma_semaphore, #tpu.memory_space<semaphore_mem>>
      %dma_start3A_178 = arith.constant 0 : i32
      %dma_start3A_179 = tpu.memref_slice %arg21[%arg1, %dma_start3A_178] : memref<16x16xf32, #tpu.memory_space<vmem_shared>> -> memref<1x16xf32, #tpu.memory_space<vmem_shared>>
      %dma_start3A_180 = tpu.memref_squeeze %dma_start3A_179 : memref<1x16xf32, #tpu.memory_space<vmem_shared>> -> memref<16xf32, #tpu.memory_space<vmem_shared>>
      %dma_start3A_181 = arith.constant 0 : i32
      %dma_start3A_182 = tpu.memref_slice %arg21[%arg1, %dma_start3A_181] : memref<16x16xf32, #tpu.memory_space<vmem_shared>> -> memref<1x16xf32, #tpu.memory_space<vmem_shared>>
      %dma_start3A_183 = tpu.memref_squeeze %dma_start3A_182 : memref<1x16xf32, #tpu.memory_space<vmem_shared>> -> memref<16xf32, #tpu.memory_space<vmem_shared>>
      tpu.enqueue_dma source(%arg16 : memref<16xf32, #tpu.memory_space<vmem>>) target(%dma_start3A_183 : memref<16xf32, #tpu.memory_space<vmem_shared>>) target_semaphore(%run_scoped3A_177 : memref<!tpu.dma_semaphore, #tpu.memory_space<semaphore_mem>>)
      %dma_wait3A_184 = arith.constant 0 : i32
      %dma_wait3A_185 = tpu.memref_slice %arg21[%arg1, %dma_wait3A_184] : memref<16x16xf32, #tpu.memory_space<vmem_shared>> -> memref<1x16xf32, #tpu.memory_space<vmem_shared>>
      %dma_wait3A_186 = tpu.memref_squeeze %dma_wait3A_185 : memref<1x16xf32, #tpu.memory_space<vmem_shared>> -> memref<16xf32, #tpu.memory_space<vmem_shared>>
      %dma_wait3A_187 = arith.constant 0 : i32
      %dma_wait3A_188 = tpu.memref_slice %arg21[%arg1, %dma_wait3A_187] : memref<16x16xf32, #tpu.memory_space<vmem_shared>> -> memref<1x16xf32, #tpu.memory_space<vmem_shared>>
      %dma_wait3A_189 = tpu.memref_squeeze %dma_wait3A_188 : memref<1x16xf32, #tpu.memory_space<vmem_shared>> -> memref<16xf32, #tpu.memory_space<vmem_shared>>
      tpu.wait_dma2 semaphore(%run_scoped3A_177 : memref<!tpu.dma_semaphore, #tpu.memory_space<semaphore_mem>>) src(%arg16 : memref<16xf32, #tpu.memory_space<vmem>>) dst(%dma_wait3A_189 : memref<16xf32, #tpu.memory_space<vmem_shared>>)
      tpu.yield
    }) : () -> ()
    %barrier3A_106 = arith.constant 0 : index
    tpu.barrier barrier_id(%barrier3A_106)
    "tpu.region"() ({
      %run_scoped3A_177 = tpu.sem_alloc : memref<!tpu.dma_semaphore, #tpu.memory_space<semaphore_mem>>
      tpu.enqueue_dma source(%arg21 : memref<16x16xf32, #tpu.memory_space<vmem_shared>>) target(%arg19 : memref<16x16xf32, #tpu.memory_space<vmem>>) target_semaphore(%run_scoped3A_177 : memref<!tpu.dma_semaphore, #tpu.memory_space<semaphore_mem>>)
      tpu.wait_dma2 semaphore(%run_scoped3A_177 : memref<!tpu.dma_semaphore, #tpu.memory_space<semaphore_mem>>) src(%arg21 : memref<16x16xf32, #tpu.memory_space<vmem_shared>>) dst(%arg19 : memref<16x16xf32, #tpu.memory_space<vmem>>)
      tpu.yield
    }) : () -> ()
    %gt3A = vector.broadcast %arg1 : i32 to vector<16xi32>
    %gt3A_107 = arith.cmpi sgt, %iota3A, %gt3A : vector<16xi32>
    %broadcast_in_dim3A_108 = arith.constant 0 : i32
    %broadcast_in_dim3A_109 = vector.broadcast %broadcast_in_dim3A_108 : i32 to vector<16xi32>
    %gather3A = tpu.vector_load_idx %arg19[%iota3A, %broadcast_in_dim3A_109] : memref<16x16xf32, #tpu.memory_space<vmem>>[vector<16xi32>, vector<16xi32>], vector<16xf32>,
    %jit3A_110 = arith.constant 0.000000e+00 : f32
    %broadcast_in_dim3A_111 = vector.broadcast %jit3A_110 : f32 to vector<16xf32>
    %select_n3A_112 = arith.select %gt3A_107, %gather3A, %broadcast_in_dim3A_111 : vector<16xi1>, vector<16xf32>
    %reduce_sum3A_113 = arith.constant true
    %reduce_sum3A_114 = vector.broadcast %reduce_sum3A_113 : i1 to vector<16xi1>
    %reduce_sum3A_115 = tpu.scan <sum>, %select_n3A_112 masked %reduce_sum3A_114 : vector<16xf32>, vector<16xi1> -> vector<16xf32>
    %reduce_sum3A_116 = vector.extract %reduce_sum3A_115[15] : f32 from vector<16xf32>
    %broadcast_in_dim3A_117 = arith.constant 1 : i32
    %broadcast_in_dim3A_118 = vector.broadcast %broadcast_in_dim3A_117 : i32 to vector<16xi32>
    %gather3A_119 = tpu.vector_load_idx %arg19[%iota3A, %broadcast_in_dim3A_118] : memref<16x16xf32, #tpu.memory_space<vmem>>[vector<16xi32>, vector<16xi32>], vector<16xf32>,
    %jit3A_120 = arith.constant 0.000000e+00 : f32
    %broadcast_in_dim3A_121 = vector.broadcast %jit3A_120 : f32 to vector<16xf32>
    %select_n3A_122 = arith.select %gt3A_107, %gather3A_119, %broadcast_in_dim3A_121 : vector<16xi1>, vector<16xf32>
    %reduce_sum3A_123 = arith.constant true
    %reduce_sum3A_124 = vector.broadcast %reduce_sum3A_123 : i1 to vector<16xi1>
    %reduce_sum3A_125 = tpu.scan <sum>, %select_n3A_122 masked %reduce_sum3A_124 : vector<16xf32>, vector<16xi1> -> vector<16xf32>
    %reduce_sum3A_126 = vector.extract %reduce_sum3A_125[15] : f32 from vector<16xf32>
    %scan3A_127 = arith.constant 0 : i32
    %scan3A_128 = arith.constant 8 : i32
    %scan3A_129 = arith.addi %scan3A_127, %scan3A_128 : i32
    %scan3A_130 = arith.constant 1 : i32
    %scan3A_131:2 = scf.for %scan3A_177 = %scan3A_127 to %scan3A_129 step %scan3A_130 iter_args(%scan3A_178 = %reduce_sum3A_116, %scan3A_179 = %reduce_sum3A_126) -> (f32, f32)  : i32 {
      %sub3A = arith.constant 7 : i32
      %sub3A_180 = arith.subi %sub3A, %scan3A_177 : i32
      %mul3A_181 = arith.constant 16 : i32
      %mul3A_182 = arith.muli %sub3A_180, %mul3A_181 : i32
      %multiple_of3A_183 = tpu.assume_multiple %mul3A_182, 16 : i32
      %get3A = arith.index_cast %multiple_of3A_183 : i32 to index
      %get3A_184 = tpu.vector_load %arg11[%get3A] {strides = array<i32>} : memref<128xf32, #tpu.memory_space<vmem>>, vector<16xf32>,
      %rev3A = arith.constant 15 : i32
      %rev3A_185 = vector.broadcast %rev3A : i32 to vector<16xi32>
      %rev3A_186 = tpu.iota {dimensions = array<i32: 0>} : vector<16xi32>
      %rev3A_187 = arith.subi %rev3A_185, %rev3A_186 : vector<16xi32>
      %rev3A_188 = tpu.dynamic_gather %get3A_184[%rev3A_187] in [0] : vector<16xf32>, vector<16xi32> -> vector<16xf32>
      %broadcast_in_dim3A_189 = arith.constant true
      %broadcast_in_dim3A_190 = vector.broadcast %broadcast_in_dim3A_189 : i1 to vector<16xi1>
      %masked_cumsum3A = tpu.scan <sum>, %rev3A_188 masked %broadcast_in_dim3A_190 : vector<16xf32>, vector<16xi1> -> vector<16xf32>
      %rev3A_191 = arith.constant 15 : i32
      %rev3A_192 = vector.broadcast %rev3A_191 : i32 to vector<16xi32>
      %rev3A_193 = tpu.iota {dimensions = array<i32: 0>} : vector<16xi32>
      %rev3A_194 = arith.subi %rev3A_192, %rev3A_193 : vector<16xi32>
      %rev3A_195 = tpu.dynamic_gather %masked_cumsum3A[%rev3A_194] in [0] : vector<16xf32>, vector<16xi32> -> vector<16xf32>
      %add3A = vector.broadcast %scan3A_178 : f32 to vector<16xf32>
      %add3A_196 = arith.addf %rev3A_195, %add3A : vector<16xf32>
      %swap3A_197 = arith.index_cast %multiple_of3A_183 : i32 to index
      %swap3A_198 = tpu.vector_load %arg13[%swap3A_197] {strides = array<i32>} : memref<128xf32, #tpu.memory_space<vmem>>, vector<16xf32>,
      tpu.vector_store %arg13[%swap3A_197], %add3A_196 {strides = array<i32>} : memref<128xf32, #tpu.memory_space<vmem>>, vector<16xf32>,
      %get3A_199 = arith.index_cast %multiple_of3A_183 : i32 to index
      %get3A_200 = tpu.vector_load %arg12[%get3A_199] {strides = array<i32>} : memref<128xf32, #tpu.memory_space<vmem>>, vector<16xf32>,
      %rev3A_201 = arith.constant 15 : i32
      %rev3A_202 = vector.broadcast %rev3A_201 : i32 to vector<16xi32>
      %rev3A_203 = tpu.iota {dimensions = array<i32: 0>} : vector<16xi32>
      %rev3A_204 = arith.subi %rev3A_202, %rev3A_203 : vector<16xi32>
      %rev3A_205 = tpu.dynamic_gather %get3A_200[%rev3A_204] in [0] : vector<16xf32>, vector<16xi32> -> vector<16xf32>
      %broadcast_in_dim3A_206 = arith.constant true
      %broadcast_in_dim3A_207 = vector.broadcast %broadcast_in_dim3A_206 : i1 to vector<16xi1>
      %masked_cumsum3A_208 = tpu.scan <sum>, %rev3A_205 masked %broadcast_in_dim3A_207 : vector<16xf32>, vector<16xi1> -> vector<16xf32>
      %rev3A_209 = arith.constant 15 : i32
      %rev3A_210 = vector.broadcast %rev3A_209 : i32 to vector<16xi32>
      %rev3A_211 = tpu.iota {dimensions = array<i32: 0>} : vector<16xi32>
      %rev3A_212 = arith.subi %rev3A_210, %rev3A_211 : vector<16xi32>
      %rev3A_213 = tpu.dynamic_gather %masked_cumsum3A_208[%rev3A_212] in [0] : vector<16xf32>, vector<16xi32> -> vector<16xf32>
      %add3A_214 = vector.broadcast %scan3A_179 : f32 to vector<16xf32>
      %add3A_215 = arith.addf %rev3A_213, %add3A_214 : vector<16xf32>
      %swap3A_216 = arith.index_cast %multiple_of3A_183 : i32 to index
      %swap3A_217 = tpu.vector_load %arg14[%swap3A_216] {strides = array<i32>} : memref<128xf32, #tpu.memory_space<vmem>>, vector<16xf32>,
      tpu.vector_store %arg14[%swap3A_216], %add3A_215 {strides = array<i32>} : memref<128xf32, #tpu.memory_space<vmem>>, vector<16xf32>,
      %reduce_sum3A_218 = arith.constant true
      %reduce_sum3A_219 = vector.broadcast %reduce_sum3A_218 : i1 to vector<16xi1>
      %reduce_sum3A_220 = tpu.scan <sum>, %get3A_184 masked %reduce_sum3A_219 : vector<16xf32>, vector<16xi1> -> vector<16xf32>
      %reduce_sum3A_221 = vector.extract %reduce_sum3A_220[15] : f32 from vector<16xf32>
      %add3A_222 = arith.addf %scan3A_178, %reduce_sum3A_221 : f32
      %reduce_sum3A_223 = arith.constant true
      %reduce_sum3A_224 = vector.broadcast %reduce_sum3A_223 : i1 to vector<16xi1>
      %reduce_sum3A_225 = tpu.scan <sum>, %get3A_200 masked %reduce_sum3A_224 : vector<16xf32>, vector<16xi1> -> vector<16xf32>
      %reduce_sum3A_226 = vector.extract %reduce_sum3A_225[15] : f32 from vector<16xf32>
      %add3A_227 = arith.addf %scan3A_179, %reduce_sum3A_226 : f32
      scf.yield %add3A_222, %add3A_227 : f32, f32
    }
    %scan3A_132 = arith.constant 8 : i32
    %run_scoped3A = arith.constant 0 : i32
    "tpu.region"() ({
      %run_scoped3A_177 = tpu.sem_alloc : memref<!tpu.dma_semaphore, #tpu.memory_space<semaphore_mem>>
      %dma_start3A_178 = tpu.memref_slice %arg24[%run_scoped3A, %multiple_of3A_62] : memref<2x2064xf32, #tpu.memory_space<vmem_shared>> -> memref<1x128xf32, #tpu.memory_space<vmem_shared>>
      %dma_start3A_179 = tpu.memref_squeeze %dma_start3A_178 : memref<1x128xf32, #tpu.memory_space<vmem_shared>> -> memref<128xf32, #tpu.memory_space<vmem_shared>>
      %dma_start3A_180 = tpu.memref_slice %arg24[%run_scoped3A, %multiple_of3A_62] : memref<2x2064xf32, #tpu.memory_space<vmem_shared>> -> memref<1x128xf32, #tpu.memory_space<vmem_shared>>
      %dma_start3A_181 = tpu.memref_squeeze %dma_start3A_180 : memref<1x128xf32, #tpu.memory_space<vmem_shared>> -> memref<128xf32, #tpu.memory_space<vmem_shared>>
      tpu.enqueue_dma source(%arg13 : memref<128xf32, #tpu.memory_space<vmem>>) target(%dma_start3A_181 : memref<128xf32, #tpu.memory_space<vmem_shared>>) target_semaphore(%run_scoped3A_177 : memref<!tpu.dma_semaphore, #tpu.memory_space<semaphore_mem>>)
      %dma_wait3A_182 = tpu.memref_slice %arg24[%run_scoped3A, %multiple_of3A_62] : memref<2x2064xf32, #tpu.memory_space<vmem_shared>> -> memref<1x128xf32, #tpu.memory_space<vmem_shared>>
      %dma_wait3A_183 = tpu.memref_squeeze %dma_wait3A_182 : memref<1x128xf32, #tpu.memory_space<vmem_shared>> -> memref<128xf32, #tpu.memory_space<vmem_shared>>
      %dma_wait3A_184 = tpu.memref_slice %arg24[%run_scoped3A, %multiple_of3A_62] : memref<2x2064xf32, #tpu.memory_space<vmem_shared>> -> memref<1x128xf32, #tpu.memory_space<vmem_shared>>
      %dma_wait3A_185 = tpu.memref_squeeze %dma_wait3A_184 : memref<1x128xf32, #tpu.memory_space<vmem_shared>> -> memref<128xf32, #tpu.memory_space<vmem_shared>>
      tpu.wait_dma2 semaphore(%run_scoped3A_177 : memref<!tpu.dma_semaphore, #tpu.memory_space<semaphore_mem>>) src(%arg13 : memref<128xf32, #tpu.memory_space<vmem>>) dst(%dma_wait3A_185 : memref<128xf32, #tpu.memory_space<vmem_shared>>)
      tpu.yield
    }) : () -> ()
    %run_scoped3A_133 = arith.constant 1 : i32
    "tpu.region"() ({
      %run_scoped3A_177 = tpu.sem_alloc : memref<!tpu.dma_semaphore, #tpu.memory_space<semaphore_mem>>
      %dma_start3A_178 = tpu.memref_slice %arg24[%run_scoped3A_133, %multiple_of3A_62] : memref<2x2064xf32, #tpu.memory_space<vmem_shared>> -> memref<1x128xf32, #tpu.memory_space<vmem_shared>>
      %dma_start3A_179 = tpu.memref_squeeze %dma_start3A_178 : memref<1x128xf32, #tpu.memory_space<vmem_shared>> -> memref<128xf32, #tpu.memory_space<vmem_shared>>
      %dma_start3A_180 = tpu.memref_slice %arg24[%run_scoped3A_133, %multiple_of3A_62] : memref<2x2064xf32, #tpu.memory_space<vmem_shared>> -> memref<1x128xf32, #tpu.memory_space<vmem_shared>>
      %dma_start3A_181 = tpu.memref_squeeze %dma_start3A_180 : memref<1x128xf32, #tpu.memory_space<vmem_shared>> -> memref<128xf32, #tpu.memory_space<vmem_shared>>
      tpu.enqueue_dma source(%arg14 : memref<128xf32, #tpu.memory_space<vmem>>) target(%dma_start3A_181 : memref<128xf32, #tpu.memory_space<vmem_shared>>) target_semaphore(%run_scoped3A_177 : memref<!tpu.dma_semaphore, #tpu.memory_space<semaphore_mem>>)
      %dma_wait3A_182 = tpu.memref_slice %arg24[%run_scoped3A_133, %multiple_of3A_62] : memref<2x2064xf32, #tpu.memory_space<vmem_shared>> -> memref<1x128xf32, #tpu.memory_space<vmem_shared>>
      %dma_wait3A_183 = tpu.memref_squeeze %dma_wait3A_182 : memref<1x128xf32, #tpu.memory_space<vmem_shared>> -> memref<128xf32, #tpu.memory_space<vmem_shared>>
      %dma_wait3A_184 = tpu.memref_slice %arg24[%run_scoped3A_133, %multiple_of3A_62] : memref<2x2064xf32, #tpu.memory_space<vmem_shared>> -> memref<1x128xf32, #tpu.memory_space<vmem_shared>>
      %dma_wait3A_185 = tpu.memref_squeeze %dma_wait3A_184 : memref<1x128xf32, #tpu.memory_space<vmem_shared>> -> memref<128xf32, #tpu.memory_space<vmem_shared>>
      tpu.wait_dma2 semaphore(%run_scoped3A_177 : memref<!tpu.dma_semaphore, #tpu.memory_space<semaphore_mem>>) src(%arg14 : memref<128xf32, #tpu.memory_space<vmem>>) dst(%dma_wait3A_185 : memref<128xf32, #tpu.memory_space<vmem_shared>>)
      tpu.yield
    }) : () -> ()
    %eq3A_134 = arith.constant 0 : i32
    %eq3A_135 = arith.cmpi eq, %arg1, %eq3A_134 : i32
    %convert_element_type3A = arith.extui %eq3A_135 : i1 to i32
    %cond3A = arith.constant 0 : i32
    %cond3A_136 = arith.cmpi ne, %convert_element_type3A, %cond3A : i32
    scf.if %cond3A_136 {
      %run_scoped3A_177 = arith.constant 0 : i32
      "tpu.region"() ({
        %run_scoped3A_179 = tpu.sem_alloc : memref<!tpu.dma_semaphore, #tpu.memory_space<semaphore_mem>>
        %dma_start3A_180 = arith.constant 2048 : i32
        %dma_start3A_181 = tpu.memref_slice %arg24[%run_scoped3A_177, %dma_start3A_180] : memref<2x2064xf32, #tpu.memory_space<vmem_shared>> -> memref<1x16xf32, #tpu.memory_space<vmem_shared>>
        %dma_start3A_182 = tpu.memref_squeeze %dma_start3A_181 : memref<1x16xf32, #tpu.memory_space<vmem_shared>> -> memref<16xf32, #tpu.memory_space<vmem_shared>>
        %dma_start3A_183 = arith.constant 2048 : i32
        %dma_start3A_184 = tpu.memref_slice %arg24[%run_scoped3A_177, %dma_start3A_183] : memref<2x2064xf32, #tpu.memory_space<vmem_shared>> -> memref<1x16xf32, #tpu.memory_space<vmem_shared>>
        %dma_start3A_185 = tpu.memref_squeeze %dma_start3A_184 : memref<1x16xf32, #tpu.memory_space<vmem_shared>> -> memref<16xf32, #tpu.memory_space<vmem_shared>>
        tpu.enqueue_dma source(%arg17 : memref<16xf32, #tpu.memory_space<vmem>>) target(%dma_start3A_185 : memref<16xf32, #tpu.memory_space<vmem_shared>>) target_semaphore(%run_scoped3A_179 : memref<!tpu.dma_semaphore, #tpu.memory_space<semaphore_mem>>)
        %dma_wait3A_186 = arith.constant 2048 : i32
        %dma_wait3A_187 = tpu.memref_slice %arg24[%run_scoped3A_177, %dma_wait3A_186] : memref<2x2064xf32, #tpu.memory_space<vmem_shared>> -> memref<1x16xf32, #tpu.memory_space<vmem_shared>>
        %dma_wait3A_188 = tpu.memref_squeeze %dma_wait3A_187 : memref<1x16xf32, #tpu.memory_space<vmem_shared>> -> memref<16xf32, #tpu.memory_space<vmem_shared>>
        %dma_wait3A_189 = arith.constant 2048 : i32
        %dma_wait3A_190 = tpu.memref_slice %arg24[%run_scoped3A_177, %dma_wait3A_189] : memref<2x2064xf32, #tpu.memory_space<vmem_shared>> -> memref<1x16xf32, #tpu.memory_space<vmem_shared>>
        %dma_wait3A_191 = tpu.memref_squeeze %dma_wait3A_190 : memref<1x16xf32, #tpu.memory_space<vmem_shared>> -> memref<16xf32, #tpu.memory_space<vmem_shared>>
        tpu.wait_dma2 semaphore(%run_scoped3A_179 : memref<!tpu.dma_semaphore, #tpu.memory_space<semaphore_mem>>) src(%arg17 : memref<16xf32, #tpu.memory_space<vmem>>) dst(%dma_wait3A_191 : memref<16xf32, #tpu.memory_space<vmem_shared>>)
        tpu.yield
      }) : () -> ()
      %run_scoped3A_178 = arith.constant 1 : i32
      "tpu.region"() ({
        %run_scoped3A_179 = tpu.sem_alloc : memref<!tpu.dma_semaphore, #tpu.memory_space<semaphore_mem>>
        %dma_start3A_180 = arith.constant 2048 : i32
        %dma_start3A_181 = tpu.memref_slice %arg24[%run_scoped3A_178, %dma_start3A_180] : memref<2x2064xf32, #tpu.memory_space<vmem_shared>> -> memref<1x16xf32, #tpu.memory_space<vmem_shared>>
        %dma_start3A_182 = tpu.memref_squeeze %dma_start3A_181 : memref<1x16xf32, #tpu.memory_space<vmem_shared>> -> memref<16xf32, #tpu.memory_space<vmem_shared>>
        %dma_start3A_183 = arith.constant 2048 : i32
        %dma_start3A_184 = tpu.memref_slice %arg24[%run_scoped3A_178, %dma_start3A_183] : memref<2x2064xf32, #tpu.memory_space<vmem_shared>> -> memref<1x16xf32, #tpu.memory_space<vmem_shared>>
        %dma_start3A_185 = tpu.memref_squeeze %dma_start3A_184 : memref<1x16xf32, #tpu.memory_space<vmem_shared>> -> memref<16xf32, #tpu.memory_space<vmem_shared>>
        tpu.enqueue_dma source(%arg17 : memref<16xf32, #tpu.memory_space<vmem>>) target(%dma_start3A_185 : memref<16xf32, #tpu.memory_space<vmem_shared>>) target_semaphore(%run_scoped3A_179 : memref<!tpu.dma_semaphore, #tpu.memory_space<semaphore_mem>>)
        %dma_wait3A_186 = arith.constant 2048 : i32
        %dma_wait3A_187 = tpu.memref_slice %arg24[%run_scoped3A_178, %dma_wait3A_186] : memref<2x2064xf32, #tpu.memory_space<vmem_shared>> -> memref<1x16xf32, #tpu.memory_space<vmem_shared>>
        %dma_wait3A_188 = tpu.memref_squeeze %dma_wait3A_187 : memref<1x16xf32, #tpu.memory_space<vmem_shared>> -> memref<16xf32, #tpu.memory_space<vmem_shared>>
        %dma_wait3A_189 = arith.constant 2048 : i32
        %dma_wait3A_190 = tpu.memref_slice %arg24[%run_scoped3A_178, %dma_wait3A_189] : memref<2x2064xf32, #tpu.memory_space<vmem_shared>> -> memref<1x16xf32, #tpu.memory_space<vmem_shared>>
        %dma_wait3A_191 = tpu.memref_squeeze %dma_wait3A_190 : memref<1x16xf32, #tpu.memory_space<vmem_shared>> -> memref<16xf32, #tpu.memory_space<vmem_shared>>
        tpu.wait_dma2 semaphore(%run_scoped3A_179 : memref<!tpu.dma_semaphore, #tpu.memory_space<semaphore_mem>>) src(%arg17 : memref<16xf32, #tpu.memory_space<vmem>>) dst(%dma_wait3A_191 : memref<16xf32, #tpu.memory_space<vmem_shared>>)
        tpu.yield
      }) : () -> ()
    } else {
    }
    %barrier3A_137 = arith.constant 0 : index
    tpu.barrier barrier_id(%barrier3A_137)
    "tpu.region"() ({
      %run_scoped3A_177 = tpu.sem_alloc : memref<!tpu.dma_semaphore, #tpu.memory_space<semaphore_mem>>
      tpu.enqueue_dma source(%arg24 : memref<2x2064xf32, #tpu.memory_space<vmem_shared>>) target(%arg15 : memref<2x2064xf32, #tpu.memory_space<vmem>>) target_semaphore(%run_scoped3A_177 : memref<!tpu.dma_semaphore, #tpu.memory_space<semaphore_mem>>)
      tpu.wait_dma2 semaphore(%run_scoped3A_177 : memref<!tpu.dma_semaphore, #tpu.memory_space<semaphore_mem>>) src(%arg24 : memref<2x2064xf32, #tpu.memory_space<vmem_shared>>) dst(%arg15 : memref<2x2064xf32, #tpu.memory_space<vmem>>)
      tpu.yield
    }) : () -> ()
    %broadcast_in_dim3A_138 = arith.constant 0 : i32
    %broadcast_in_dim3A_139 = vector.broadcast %broadcast_in_dim3A_138 : i32 to vector<16xi32>
    %broadcast_in_dim3A_140 = arith.constant 1 : i32
    %broadcast_in_dim3A_141 = vector.broadcast %broadcast_in_dim3A_140 : i32 to vector<16xi32>
    %broadcast_in_dim3A_142 = arith.constant 0.000000e+00 : f32
    %broadcast_in_dim3A_143 = vector.broadcast %broadcast_in_dim3A_142 : f32 to vector<16xf32>
    %scan3A_144 = arith.constant 0 : i32
    %scan3A_145 = arith.constant 64 : i32
    %scan3A_146 = arith.addi %scan3A_144, %scan3A_145 : i32
    %scan3A_147 = arith.constant 1 : i32
    %scan3A_148 = scf.for %scan3A_177 = %scan3A_144 to %scan3A_146 step %scan3A_147 iter_args(%scan3A_178 = %broadcast_in_dim3A_143) -> (vector<16xf32>)  : i32 {
      %mul3A_179 = arith.constant 16 : i32
      %mul3A_180 = arith.muli %scan3A_177, %mul3A_179 : i32
      %multiple_of3A_181 = tpu.assume_multiple %mul3A_180, 16 : i32
      %get3A = arith.index_cast %multiple_of3A_181 : i32 to index
      %get3A_182 = tpu.vector_load %arg5[%get3A] {strides = array<i32>} : memref<1024xf32, #tpu.memory_space<vmem>>, vector<16xf32>,
      %get3A_183 = arith.index_cast %multiple_of3A_181 : i32 to index
      %get3A_184 = tpu.vector_load %arg6[%get3A_183] {strides = array<i32>} : memref<1024xi32, #tpu.memory_space<vmem>>, vector<16xi32>,
      %eq3A_185 = arith.constant 1 : i32
      %eq3A_186 = vector.broadcast %eq3A_185 : i32 to vector<16xi32>
      %eq3A_187 = arith.cmpi eq, %get3A_184, %eq3A_186 : vector<16xi32>
      %sub3A = arith.constant 5.000000e-01 : f32
      %sub3A_188 = vector.broadcast %sub3A : f32 to vector<16xf32>
      %sub3A_189 = arith.subf %get3A_182, %sub3A_188 : vector<16xf32>
      %sub3A_190 = arith.constant -1.100000e+01 : f32
      %sub3A_191 = vector.broadcast %sub3A_190 : f32 to vector<16xf32>
      %sub3A_192 = arith.subf %sub3A_189, %sub3A_191 : vector<16xf32>
      %mul3A_193 = arith.constant 95.2558135 : f32
      %mul3A_194 = vector.broadcast %mul3A_193 : f32 to vector<16xf32>
      %mul3A_195 = arith.mulf %sub3A_192, %mul3A_194 : vector<16xf32>
      %convert_element_type3A_196 = arith.fptosi %mul3A_195 : vector<16xf32> to vector<16xi32>
      %max3A = arith.constant 0 : i32
      %max3A_197 = vector.broadcast %max3A : i32 to vector<16xi32>
      %max3A_198 = arith.maxsi %convert_element_type3A_196, %max3A_197 : vector<16xi32>
      %min3A = arith.constant 2047 : i32
      %min3A_199 = vector.broadcast %min3A : i32 to vector<16xi32>
      %min3A_200 = arith.minsi %max3A_198, %min3A_199 : vector<16xi32>
      %add3A = arith.constant 1 : i32
      %add3A_201 = vector.broadcast %add3A : i32 to vector<16xi32>
      %add3A_202 = arith.addi %min3A_200, %add3A_201 : vector<16xi32>
      %gather3A_203 = tpu.vector_load_idx %arg15[%broadcast_in_dim3A_139, %add3A_202] : memref<2x2064xf32, #tpu.memory_space<vmem>>[vector<16xi32>, vector<16xi32>], vector<16xf32>,
      %gather3A_204 = tpu.vector_load_idx %arg15[%broadcast_in_dim3A_141, %add3A_202] : memref<2x2064xf32, #tpu.memory_space<vmem>>[vector<16xi32>, vector<16xi32>], vector<16xf32>,
      %sub3A_205 = arith.constant 0.000000e+00 : f32
      %sub3A_206 = vector.broadcast %sub3A_205 : f32 to vector<16xf32>
      %sub3A_207 = arith.subf %sub3A_206, %sub3A_189 : vector<16xf32>
      %mul3A_208 = arith.mulf %gather3A_203, %sub3A_207 : vector<16xf32>
      %add3A_209 = arith.addf %mul3A_208, %gather3A_204 : vector<16xf32>
      %jit3A_210 = arith.constant 0.000000e+00 : f32
      %broadcast_in_dim3A_211 = vector.broadcast %jit3A_210 : f32 to vector<16xf32>
      %select_n3A_212 = arith.select %eq3A_187, %add3A_209, %broadcast_in_dim3A_211 : vector<16xi1>, vector<16xf32>
      %add3A_213 = arith.addf %scan3A_178, %select_n3A_212 : vector<16xf32>
      scf.yield %add3A_213 : vector<16xf32>
    }
    %scan3A_149 = arith.constant 64 : i32
    %reduce_sum3A_150 = arith.constant true
    %reduce_sum3A_151 = vector.broadcast %reduce_sum3A_150 : i1 to vector<16xi1>
    %reduce_sum3A_152 = tpu.scan <sum>, %scan3A_148 masked %reduce_sum3A_151 : vector<16xf32>, vector<16xi1> -> vector<16xf32>
    %reduce_sum3A_153 = vector.extract %reduce_sum3A_152[15] : f32 from vector<16xf32>
    %eq3A_154 = arith.constant 0 : i32
    %eq3A_155 = vector.broadcast %eq3A_154 : i32 to vector<16xi32>
    %eq3A_156 = arith.cmpi eq, %iota3A, %eq3A_155 : vector<16xi32>
    %eq3A_157 = arith.constant 1 : i32
    %eq3A_158 = vector.broadcast %eq3A_157 : i32 to vector<16xi32>
    %eq3A_159 = arith.cmpi eq, %iota3A, %eq3A_158 : vector<16xi32>
    %mul3A_160 = vector.broadcast %reduce_sum3A_31 : f32 to vector<16xf32>
    %mul3A_161 = arith.mulf %broadcast_in_dim3A_18, %mul3A_160 : vector<16xf32>
    %jit3A_162 = arith.constant 0.000000e+00 : f32
    %broadcast_in_dim3A_163 = vector.broadcast %jit3A_162 : f32 to vector<16xf32>
    %select_n3A_164 = arith.select %eq3A_159, %mul3A_161, %broadcast_in_dim3A_163 : vector<16xi1>, vector<16xf32>
    %broadcast_in_dim3A_165 = vector.broadcast %reduce_sum3A_153 : f32 to vector<16xf32>
    %select_n3A_166 = arith.select %eq3A_156, %broadcast_in_dim3A_165, %select_n3A_164 : vector<16xi1>, vector<16xf32>
    %swap3A_167 = arith.constant 0 : index
    %swap3A_168 = tpu.vector_load %arg16[%swap3A_167] {strides = array<i32>} : memref<16xf32, #tpu.memory_space<vmem>>, vector<16xf32>,
    tpu.vector_store %arg16[%swap3A_167], %select_n3A_166 {strides = array<i32>} : memref<16xf32, #tpu.memory_space<vmem>>, vector<16xf32>,
    "tpu.region"() ({
      %run_scoped3A_177 = tpu.sem_alloc : memref<!tpu.dma_semaphore, #tpu.memory_space<semaphore_mem>>
      %dma_start3A_178 = arith.constant 0 : i32
      %dma_start3A_179 = tpu.memref_slice %arg22[%arg1, %dma_start3A_178] : memref<16x16xf32, #tpu.memory_space<vmem_shared>> -> memref<1x16xf32, #tpu.memory_space<vmem_shared>>
      %dma_start3A_180 = tpu.memref_squeeze %dma_start3A_179 : memref<1x16xf32, #tpu.memory_space<vmem_shared>> -> memref<16xf32, #tpu.memory_space<vmem_shared>>
      %dma_start3A_181 = arith.constant 0 : i32
      %dma_start3A_182 = tpu.memref_slice %arg22[%arg1, %dma_start3A_181] : memref<16x16xf32, #tpu.memory_space<vmem_shared>> -> memref<1x16xf32, #tpu.memory_space<vmem_shared>>
      %dma_start3A_183 = tpu.memref_squeeze %dma_start3A_182 : memref<1x16xf32, #tpu.memory_space<vmem_shared>> -> memref<16xf32, #tpu.memory_space<vmem_shared>>
      tpu.enqueue_dma source(%arg16 : memref<16xf32, #tpu.memory_space<vmem>>) target(%dma_start3A_183 : memref<16xf32, #tpu.memory_space<vmem_shared>>) target_semaphore(%run_scoped3A_177 : memref<!tpu.dma_semaphore, #tpu.memory_space<semaphore_mem>>)
      %dma_wait3A_184 = arith.constant 0 : i32
      %dma_wait3A_185 = tpu.memref_slice %arg22[%arg1, %dma_wait3A_184] : memref<16x16xf32, #tpu.memory_space<vmem_shared>> -> memref<1x16xf32, #tpu.memory_space<vmem_shared>>
      %dma_wait3A_186 = tpu.memref_squeeze %dma_wait3A_185 : memref<1x16xf32, #tpu.memory_space<vmem_shared>> -> memref<16xf32, #tpu.memory_space<vmem_shared>>
      %dma_wait3A_187 = arith.constant 0 : i32
      %dma_wait3A_188 = tpu.memref_slice %arg22[%arg1, %dma_wait3A_187] : memref<16x16xf32, #tpu.memory_space<vmem_shared>> -> memref<1x16xf32, #tpu.memory_space<vmem_shared>>
      %dma_wait3A_189 = tpu.memref_squeeze %dma_wait3A_188 : memref<1x16xf32, #tpu.memory_space<vmem_shared>> -> memref<16xf32, #tpu.memory_space<vmem_shared>>
      tpu.wait_dma2 semaphore(%run_scoped3A_177 : memref<!tpu.dma_semaphore, #tpu.memory_space<semaphore_mem>>) src(%arg16 : memref<16xf32, #tpu.memory_space<vmem>>) dst(%dma_wait3A_189 : memref<16xf32, #tpu.memory_space<vmem_shared>>)
      tpu.yield
    }) : () -> ()
    %barrier3A_169 = arith.constant 0 : index
    tpu.barrier barrier_id(%barrier3A_169)
    %eq3A_170 = arith.constant 0 : i32
    %eq3A_171 = arith.cmpi eq, %arg1, %eq3A_170 : i32
    %eq3A_172 = arith.constant 0 : i32
    %eq3A_173 = arith.cmpi eq, %arg0, %eq3A_172 : i32
    %and3A = arith.andi %eq3A_171, %eq3A_173 : i1
    %convert_element_type3A_174 = arith.extui %and3A : i1 to i32
    %cond3A_175 = arith.constant 0 : i32
    %cond3A_176 = arith.cmpi ne, %convert_element_type3A_174, %cond3A_175 : i32
    scf.if %cond3A_176 {
      "tpu.region"() ({
        %run_scoped3A_213 = tpu.sem_alloc : memref<!tpu.dma_semaphore, #tpu.memory_space<semaphore_mem>>
        tpu.enqueue_dma source(%arg22 : memref<16x16xf32, #tpu.memory_space<vmem_shared>>) target(%arg19 : memref<16x16xf32, #tpu.memory_space<vmem>>) target_semaphore(%run_scoped3A_213 : memref<!tpu.dma_semaphore, #tpu.memory_space<semaphore_mem>>)
        tpu.wait_dma2 semaphore(%run_scoped3A_213 : memref<!tpu.dma_semaphore, #tpu.memory_space<semaphore_mem>>) src(%arg22 : memref<16x16xf32, #tpu.memory_space<vmem_shared>>) dst(%arg19 : memref<16x16xf32, #tpu.memory_space<vmem>>)
        tpu.yield
      }) : () -> ()
      %broadcast_in_dim3A_177 = arith.constant 0 : i32
      %broadcast_in_dim3A_178 = vector.broadcast %broadcast_in_dim3A_177 : i32 to vector<16xi32>
      %gather3A_179 = tpu.vector_load_idx %arg19[%iota3A, %broadcast_in_dim3A_178] : memref<16x16xf32, #tpu.memory_space<vmem>>[vector<16xi32>, vector<16xi32>], vector<16xf32>,
      %reduce_sum3A_180 = arith.constant true
      %reduce_sum3A_181 = vector.broadcast %reduce_sum3A_180 : i1 to vector<16xi1>
      %reduce_sum3A_182 = tpu.scan <sum>, %gather3A_179 masked %reduce_sum3A_181 : vector<16xf32>, vector<16xi1> -> vector<16xf32>
      %reduce_sum3A_183 = vector.extract %reduce_sum3A_182[15] : f32 from vector<16xf32>
      %broadcast_in_dim3A_184 = arith.constant 1 : i32
      %broadcast_in_dim3A_185 = vector.broadcast %broadcast_in_dim3A_184 : i32 to vector<16xi32>
      %gather3A_186 = tpu.vector_load_idx %arg19[%iota3A, %broadcast_in_dim3A_185] : memref<16x16xf32, #tpu.memory_space<vmem>>[vector<16xi32>, vector<16xi32>], vector<16xf32>,
      %reduce_sum3A_187 = arith.constant true
      %reduce_sum3A_188 = vector.broadcast %reduce_sum3A_187 : i1 to vector<16xi1>
      %reduce_sum3A_189 = tpu.scan <sum>, %gather3A_186 masked %reduce_sum3A_188 : vector<16xf32>, vector<16xi1> -> vector<16xf32>
      %reduce_sum3A_190 = vector.extract %reduce_sum3A_189[15] : f32 from vector<16xf32>
      %sub3A = arith.constant 1.638400e+04 : f32
      %sub3A_191 = arith.subf %sub3A, %reduce_sum3A_190 : f32
      %mul3A_192 = arith.mulf %reduce_sum3A_190, %sub3A_191 : f32
      %mul3A_193 = vector.broadcast %mul3A_192 : f32 to vector<16xf32>
      %mul3A_194 = arith.mulf %broadcast_in_dim3A_18, %mul3A_193 : vector<16xf32>
      %gt3A_195 = arith.constant 0.000000e+00 : f32
      %gt3A_196 = vector.broadcast %gt3A_195 : f32 to vector<16xf32>
      %gt3A_197 = arith.cmpf ogt, %mul3A_194, %gt3A_196 : vector<16xf32>
      %mul3A_198 = vector.broadcast %reduce_sum3A_183 : f32 to vector<16xf32>
      %mul3A_199 = arith.mulf %broadcast_in_dim3A_18, %mul3A_198 : vector<16xf32>
      %max3A = arith.constant 1.000000e+00 : f32
      %max3A_200 = vector.broadcast %max3A : f32 to vector<16xf32>
      %max3A_201 = arith.maximumf %mul3A_194, %max3A_200 : vector<16xf32>
      %div3A = arith.divf %mul3A_199, %max3A_201 : vector<16xf32>
      %jit3A_202 = arith.constant 0.000000e+00 : f32
      %broadcast_in_dim3A_203 = vector.broadcast %jit3A_202 : f32 to vector<16xf32>
      %select_n3A_204 = arith.select %gt3A_197, %div3A, %broadcast_in_dim3A_203 : vector<16xi1>, vector<16xf32>
      %eq3A_205 = arith.constant 0 : i32
      %eq3A_206 = vector.broadcast %eq3A_205 : i32 to vector<16xi32>
      %eq3A_207 = arith.cmpi eq, %iota3A, %eq3A_206 : vector<16xi32>
      %jit3A_208 = arith.constant 0.000000e+00 : f32
      %broadcast_in_dim3A_209 = vector.broadcast %jit3A_208 : f32 to vector<16xf32>
      %select_n3A_210 = arith.select %eq3A_207, %select_n3A_204, %broadcast_in_dim3A_209 : vector<16xi1>, vector<16xf32>
      %swap3A_211 = arith.constant 0 : index
      %swap3A_212 = tpu.vector_load %arg18[%swap3A_211] {strides = array<i32>} : memref<16xf32, #tpu.memory_space<vmem>>, vector<16xf32>,
      tpu.vector_store %arg18[%swap3A_211], %select_n3A_210 {strides = array<i32>} : memref<16xf32, #tpu.memory_space<vmem>>, vector<16xf32>,
      "tpu.region"() ({
        %run_scoped3A_213 = tpu.sem_alloc : memref<!tpu.dma_semaphore, #tpu.memory_space<semaphore_mem>>
        tpu.enqueue_dma source(%arg18 : memref<16xf32, #tpu.memory_space<vmem>>) target(%arg4 : memref<16xf32, #tpu.memory_space<hbm>>) target_semaphore(%run_scoped3A_213 : memref<!tpu.dma_semaphore, #tpu.memory_space<semaphore_mem>>)
        tpu.wait_dma2 semaphore(%run_scoped3A_213 : memref<!tpu.dma_semaphore, #tpu.memory_space<semaphore_mem>>) src(%arg18 : memref<16xf32, #tpu.memory_space<vmem>>) dst(%arg4 : memref<16xf32, #tpu.memory_space<hbm>>)
        tpu.yield
      }) : () -> ()
    } else {
    }
    return
  }
}

</mosaic_0001>

<sc_bundles>
// kernel: _pairwise_hinge_sc.3.cloned.1.call-start
scs
__scs_entry_jumppad:
0x0: {  	(pc) =	sbr.rel $0x88, $3  }
0x1: {  	(tag) =	ssettag $0x0;
	lr =	simm.s32 $0x1  }
0x2: {  	[smem:$0x3F9F] =	sst lr;
	_ =	strace $0xD0000000  }
0x3: {  	_ = 	snop  }
0x4: {  	_ = 	snop  }
0x5: {  	_ = 	snop  }
0x6: {  	_ = 	snop  }
0x7: {  	_ = 	snop  }
__scs_overlays_trampoline_lowered:
0x8: {  	[smem:$0x3FAE] =	sst s0  }
0x9: {  	[smem:$0x3FAF] =	sst s1  }
0xa: {  	[smem:$0x3FB0] =	sst s2  }
0xb: {  	[smem:$0x3FB1] =	sst s3  }
0xc: {  	[smem:$0x3FB2] =	sst s4  }
0xd: {  	[smem:$0x3FB3] =	sst s5  }
0xe: {  	[smem:$0x3FB4] =	sst s6  }
0xf: {  	[smem:$0x3FB5] =	sst s7  }
0x10: {  	[smem:$0x3FB6] =	sst s8  }
0x11: {  	[smem:$0x3FB7] =	sst s9;
	s0 =	simm.s32 @!p0 $0x0  }
0x12: {  	s1 =	sld [smem:$0x3F9D];
	s0 =	simm.s32 @p0 $0x1  }
0x13: {  	[smem:$0x3FB8] =	sst s0;
	s0 =	simm.s32 @!p1 $0x0  }
0x14: {  	s2 =	sld [smem:$0x3F9C];
	s0 =	simm.s32 @p1 $0x1  }
0x15: {  	[smem:$0x3FB9] =	sst s0;
	s0 =	simm.s32 @!p2 $0x0  }
0x16: {  	s3 =	sld [smem:$0x3FDB];
	s0 =	simm.s32 @p2 $0x1  }
0x17: {  	s4 =	simm.s32 $0x1BF5;
	[smem:$0x3FBB] =	sst s0  }
0x18: {  	s0 =	sld [smem:$0x3F9E];
	_ =	swait.ge [sflag:s4], $0x0  }
0x19: {  	s7 =	sld [smem:$0x3F9F]  }
0x1a: {  	s8 =	sadd.s32 $0xFFFFE003, lr  }
0x1b: {  	s9 =	sadd.s32 $0xFFFFFEF7, lr;
	s5 =	simm.s32 $0xFFFFFFFF;
	p2 =	slt.u32 s8, $0xFFFFF086  }
0x1c: {  	p1 =	slt.u32 s9, $0xF7A;
	s5 =	simm.s32 @!p2 $0x0  }
0x1d: {  	s5 =	simm.s32 @p1 $0x1;
	p0 =	seq.s32 s7, s2  }
0x1e: {  	s7 =	smul.u32 @!p0 $0xF7A, s2;
	p2 =	seq.s32 @!p0 s5, $0x0  }
0x1f: {  	s9 =	smul.u32 $0xF7A, s1;
	s8 =	simm.s32 @!p0 $0x1BF5;
	p2 =	por !p2, p0  }
0x20: {  	[sflag:s8] =	ssyncset.s32 @!p0 $0xFFFFF086;
	s6 =	sadd.s32 @!p0 s3, s7;
	s7 =	simm.s32 @!p0 $0x108  }
0x21: {  	s3 =	sadd.s32 s3, s9;
	s6 =	sadd.s32 @!p0 $0x88, s6;
	s7 =	simm.s32 @p2 $0x1082  }
0x22: {  	[simem:s7], [sflag:s8] =	dma.local @!p0 [hbm:s6], $0xF7A  }
0x23: {  	s9 =	sor.u32 $0xD0000000, s2;
	s6 =	simm.s32 $0x108;
	_ =	swait.ge @!p0 [sflag:s8], $0x0  }
0x24: {  	s3 =	sadd.s32 $0x88, s3;
	s6 =	simm.s32 @!p1 $0x1082;
	[sflag:s4] =	ssyncset.s32 $0xFFFFF086  }
0x25: {  	[simem:s6], [sflag:s4] =	dma.local [hbm:s3], $0xF7A  }
0x26: {  	[smem:$0x3F9F] =	sst s1;
	(tag) =	ssettag s2;
	_ =	strace s9  }
0x27: {  	s1 =	sld [smem:$0x3FAF]  }
0x28: {  	s2 =	sld [smem:$0x3FB0]  }
0x29: {  	s4 =	sld [smem:$0x3FB2]  }
0x2a: {  	p0 =	seq.s32 s5, $0x0;
	s5 =	sld [smem:$0x3FB3]  }
0x2b: {  	s6 =	sld [smem:$0x3FB4]  }
0x2c: {  	s7 =	sld [smem:$0x3FB5]  }
0x2d: {  	s3 =	simm.s32 $0x108;
	s8 =	sld [smem:$0x3FB6]  }
0x2e: {  	s3 =	simm.s32 @!p0 $0x1082;
	s9 =	sld [smem:$0x3FB7]  }
0x2f: {  	lr =	sadd.s32 s0, s3;
	s0 =	sld [smem:$0x3FAE]  }
0x30: {  	s3 =	sld [smem:$0x3FB1]  }
0x31: {  	[smem:$0x3FBA] =	sst s10  }
0x32: {  	s10 =	sld [smem:$0x3FB8];
	_ =	sdelay $0x3  }
0x33: {  	p0 =	seq.s32 s10, $0x1;
	s10 =	sld [smem:$0x3FBA];
	_ =	sdelay $0x3  }
0x34: {  	[smem:$0x3FBA] =	sst s10  }
0x35: {  	s10 =	sld [smem:$0x3FB9];
	_ =	sdelay $0x3  }
0x36: {  	p1 =	seq.s32 s10, $0x1;
	s10 =	sld [smem:$0x3FBA];
	_ =	sdelay $0x3  }
0x37: {  	[smem:$0x3FBA] =	sst s10  }
0x38: {  	s10 =	sld [smem:$0x3FBB]  }
0x39: {  	_ = 	snop;
	(pc) =	sbr.ind lr, $3  }
0x3a: {  	_ = 	snop  }
0x3b: {  	_ = 	snop  }
0x3c: {  	p2 =	seq.s32 s10, $0x1;
	s10 =	sld [smem:$0x3FBA]  }
0x3d: {  	_ =	shalt  }
0x3e: {  	_ =	shalt  }
0x3f: {  	_ =	shalt  }
0x40: {  	_ =	shalt  }
0x41: {  	_ =	shalt  }
0x42: {  	_ =	shalt  }
0x43: {  	_ =	shalt  }
0x44: {  	_ =	shalt  }
0x45: {  	_ =	shalt  }
0x46: {  	_ =	shalt  }
0x47: {  	_ =	shalt  }
0x48: {  	_ =	shalt  }
0x49: {  	_ =	shalt  }
0x4a: {  	_ =	shalt  }
0x4b: {  	_ =	shalt  }
0x4c: {  	_ =	shalt  }
0x4d: {  	_ =	shalt  }
0x4e: {  	_ =	shalt  }
0x4f: {  	_ =	shalt  }
0x50: {  	_ =	shalt  }
0x51: {  	_ =	shalt  }
0x52: {  	_ =	shalt  }
0x53: {  	_ =	shalt  }
0x54: {  	_ =	shalt  }
0x55: {  	_ =	shalt  }
0x56: {  	_ =	shalt  }
0x57: {  	_ =	shalt  }
0x58: {  	_ =	shalt  }
0x59: {  	_ =	shalt  }
0x5a: {  	_ =	shalt  }
0x5b: {  	_ =	shalt  }
0x5c: {  	_ =	shalt  }
0x5d: {  	_ =	shalt  }
0x5e: {  	_ =	shalt  }
0x5f: {  	_ =	shalt  }
0x60: {  	_ =	shalt  }
0x61: {  	_ =	shalt  }
0x62: {  	_ =	shalt  }
0x63: {  	_ =	shalt  }
0x64: {  	_ =	shalt  }
0x65: {  	_ =	shalt  }
0x66: {  	_ =	shalt  }
0x67: {  	_ =	shalt  }
0x68: {  	_ =	shalt  }
0x69: {  	_ =	shalt  }
0x6a: {  	_ =	shalt  }
0x6b: {  	_ =	shalt  }
0x6c: {  	_ =	shalt  }
0x6d: {  	_ =	shalt  }
0x6e: {  	_ =	shalt  }
0x6f: {  	_ =	shalt  }
0x70: {  	_ =	shalt  }
0x71: {  	_ =	shalt  }
0x72: {  	_ =	shalt  }
0x73: {  	_ =	shalt  }
0x74: {  	_ =	shalt  }
0x75: {  	_ =	shalt  }
0x76: {  	_ =	shalt  }
0x77: {  	_ =	shalt  }
0x78: {  	_ =	shalt  }
0x79: {  	_ =	shalt  }
0x7a: {  	_ =	shalt  }
0x7b: {  	_ =	shalt  }
0x7c: {  	_ =	shalt  }
0x7d: {  	_ =	shalt  }
0x7e: {  	_ =	shalt  }
0x7f: {  	_ =	shalt  }
0x80: {  	_ =	shalt  }
0x81: {  	_ =	shalt  }
0x82: {  	_ =	shalt  }
0x83: {  	_ =	shalt  }
0x84: {  	_ =	shalt  }
0x85: {  	_ =	shalt  }
0x86: {  	_ =	shalt  }
0x87: {  	_ =	shalt  }
.Lfunc_end0:
.L_simem_size_0:
called_computation_lowered:
.L_overlay_start_0:
0x88: {  	s0 =	sld [smem:$0x3FD9]  }
0x89: {  	s1 =	sld [smem:$0x3FFE];
	_ =	sdelay $0x3  }
0x8a: {  	s0 =	sadd.s32 s1, s0  }
0x8b: {  	[smem:$0x3FC6] =	sst s0  }
0x8c: {  	_ = 	snop  }
0x8d: {  	s0 =	sld [smem:$0x3FC9]  }
0x8e: {  	s17 =	sld [smem:$0x3FC8]  }
0x8f: {  	s2 =	sld [smem:$0x3FD0];
	(tm) =	ssettm $0x1  }
0x90: {  	s3 =	sld [smem:$0x3FFB];
	_ =	sdelay $0x3  }
0x91: {  	_ =	strace s3  }
0x92: {  	s3 =	sld [smem:$0x3FFC];
	_ =	sdelay $0x3  }
0x93: {  	_ =	strace s3  }
0x94: {  	s3 =	sld [smem:$0x3FFD];
	_ =	sdelay $0x3  }
0x95: {  	_ =	strace s3  }
0x96: {  	_ =	strace $0x8FFFFFFF  }
0x97: {  	s18 =	sld [smem:$0x3FDB];
	_ =	sdelay $0x1  }
0x98: {  	s4 =	simm.s32 $_scs_section_size  }
0x99: {  	s5 =	simm.s32 $_size__tile_overlayer_lowered;
	s6 =	simm.s32 $_tile_overlayer_lowered  }
0x9a: {  	s21 =	simm.s32 $0x1BFF;
	s20 =	sshll.u32 s6, $0x1;
	s3 =	sadd.s32 s4, s18  }
0x9b: {  	s7 =	simm.s32 $0x0;
	s19 =	sshll.u32 s5, $0x1;
	s5 =	sadd.s32 s20, s3  }
0x9c: {  	[timem:s7], [sflag:s21] =	dma.local [hbm:s5], s19  }
0x9d: {  	_ =	swait.ge [sflag:s21], s19  }
0x9e: {  	s4 =	ssub.s32 $0x0, s19;
	[sflag:s21] =	ssyncset.done $0x0  }
0x9f: {  	[sflag:s21] =	ssyncadd.s32 s4;
	_ =	sdelay $0x1  }
0xa0: {  	s22 =	simm.s32 $0x1B8B  }
0xa1: {  	_ =	swait.ge [sflag:s22], $0x1  }
0xa2: {  	[sflag:s22] =	ssyncset.done $0x0  }
0xa3: {  	s23 =	simm.s32 $0x1B8E;
	[sflag:s22] =	ssyncadd.s32 $0xFFFFFFFF  }
0xa4: {  	s24 =	simm.s32 $execute0_lowered;
	[smem:$0x3FD2] =	sst s23  }
0xa5: {  	s4 =	sshll.u32 s24, $0x1;
	_ =	strace $0x80000046;
	[dreg:$0x1] =	wrdreg $0xFFFFFFFF  }
0xa6: {  	s25 =	simm.s32 $_size_execute0_lowered;
	s3 =	sadd.s32 s3, s4;
	[dreg:$0x0] =	wrdreg $0x0  }
0xa7: {  	s4 =	sshll.u32 s25, $0x1;
	[dreg:$0x2] =	wrdreg s3  }
0xa8: {  	[dreg:$0x3] =	wrdreg s4  }
0xa9: {  	[dreg:$0x4] =	wrdreg $0xC0  }
0xaa: {  	_ =	task [dreg:s7], $0x5FFFF  }
0xab: {  	[dreg:$0x1] =	wrdreg $0xFFFFFFFF  }
0xac: {  	[dreg:$0x0] =	wrdreg $0x60  }
0xad: {  	[dreg:$0x2] =	wrdreg s0  }
0xae: {  	[dreg:$0x3] =	wrdreg s17  }
0xaf: {  	[dreg:$0x4] =	wrdreg s2  }
0xb0: {  	[dreg:$0x5] =	wrdreg $0x44800  }
0xb1: {  	[dreg:$0x6] =	wrdreg $0x44900  }
0xb2: {  	[dreg:$0x7] =	wrdreg $0x44A00  }
0xb3: {  	[dreg:$0x8] =	wrdreg $0x54A00  }
0xb4: {  	[dreg:$0x9] =	wrdreg $0x9  }
0xb5: {  	_ =	task.clear_ibuf [dreg:s7], $0xAFFFF;
	_ =	strace $0x90000046  }
0xb6: {  	s26 =	simm.s32 $0x9;
	_ =	strace $0x80000048  }
0xb7: {  	_ =	swait.ge [sflag:s26], $0x1  }
0xb8: {  	[sflag:s26] =	ssyncadd.s32 $0xFFFFFFFF  }
0xb9: {  	_ =	strace $0x90000048  }
0xba: {  	_ =	sfence  }
0xbb: {  	s28 =	sld [smem:$0x0];
	_ =	sdelay $0x1  }
0xbc: {  	s29 =	srdreg.scid  }
0xbd: {  	s30 =	sshll.u32 s29, $0xD;
	s31 =	sshrl.u32 s29, $0x2  }
0xbe: {  	s1 =	sand.u32 $0x1, s29;
	s2 =	sand.u32 $0x4000, s30;
	s0 =	sadd.s32 s31, s28  }
0xbf: {  	s1 =	sor.u32 s2, s1;
	s0 =	sshll.u32 s0, $0x11  }
0xc0: {  	s0 =	sor.u32 s0, s1  }
0xc1: {  	s0 =	sadd.s32 $0x8F2B, s0  }
0xc2: {  	[sflag:s0] =	ssyncadd.remote.s32 $0x1  }
0xc3: {  	_ =	sfence.sel $0xFFFF  }
0xc4: {  	[dreg:$0x0] =	wrdreg $0xFFFFFFFF;
	(pc) =	sbr.abs _section_cstart, $3  }
0xc5: {  	[dreg:$0x1] =	wrdreg $0xFFFFFFFF  }
0xc6: {  	_ =	task.clear_ibuf [dreg:s7], $0x2FFFF;
	_ =	strace $0x9FFFFFFF  }
0xc7: {  	(tm) =	ssettm $0x7FFFFFFF  }
tec
execute0_lowered:
.L_overlay_start_1:
0x0: {  	(tag) =	ssettag $0x1  }
0x1: {  	s6 =	rddreg [dreg:$0x0]  }
0x2: {  	s8 =	rddreg [dreg:$0x1]  }
0x3: {  	s1 =	rddreg [dreg:$0x2]  }
0x4: {  	s7 =	rddreg [dreg:$0x3]  }
0x5: {  	s2 =	rddreg [dreg:$0x4]  }
0x6: {  	s9 =	rddreg [dreg:$0x5]  }
0x7: {  	s4 =	rddreg [dreg:$0x6];
	s10 =	simm.s32 $0x0;
	s5 =	stileid.u32  }
0x8: {  	[smem:$0x7FF] =	sst s10;
	s3 =	sshll.u32 s5, $0x7  }
0x9: {  	s0 =	rddreg [dreg:$0x7];
	_ =	strace $0x80000047;
	s6 =	sadd.s32 s6, s3  }
0xa: {  	[tilespmem:s10], [sflag:$0x1] =	stream.linear.gather [hbm4b:s6+s10], $0x400, $0x38;
	[tilespmem:$0x55A8] =	vst v63  }
0xb: {  	s31 =	simm.s32 $0x400;
	s30 =	sadd.s32 s8, s3  }
0xc: {  	v0 =	vimm.f32 $0.0e+00;
	[tilespmem:s31], [sflag:$0x1] =	stream.linear.gather [hbm4b:s30+s10], $0x400, $0x38;
	[tilespmem:$0x55A8] =	vst v63  }
0xd: {  	s8 =	simm.s32 $0x100;
	s6 =	simm.s32 $0x0;
	[tilespmem:$0x3B80] =	vst v0  }
.LBB2_1:
0xe: {  	p0 =	sne.s32 s8, $0x1F00;
	[tilespmem:s6+$0x1030] =	vst v0  }
0xf: {  	[tilespmem:s6+$0x800] =	vst v0  }
0x10: {  	[tilespmem:s6+$0x1000] =	vst v0  }
.Ltmp0:
0x11: {  	[tilespmem:s6+$0x810] =	vst v0;
	(pc) =	sbr.rel @p0 .LBB2_1-.Ltmp0, $4  }
0x12: {  	[tilespmem:s6+$0x1010] =	vst v0  }
0x13: {  	[tilespmem:s6+$0x820] =	vst v0  }
0x14: {  	[tilespmem:s6+$0x1020] =	vst v0  }
0x15: {  	[tilespmem:s6+$0x830] =	vst v0;
	s6 =	sshra.s32 s8, $0x2;
	s8 =	sadd.s32 $0x100, s8  }
0x16: {  	[tilespmem:s6+$0x1030] =	vst v0  }
0x17: {  	[tilespmem:s6+$0x800] =	vst v0  }
0x18: {  	[tilespmem:s6+$0x1000] =	vst v0  }
0x19: {  	[tilespmem:s6+$0x810] =	vst v0  }
0x1a: {  	[tilespmem:s6+$0x1010] =	vst v0  }
0x1b: {  	[tilespmem:s6+$0x820] =	vst v0  }
0x1c: {  	[tilespmem:s6+$0x1020] =	vst v0  }
0x1d: {  	[tilespmem:s6+$0x830] =	vst v0;
	s31 =	simm.s32 $0x1  }
0x1e: {  	_ =	swait.ge [sflag:s31], $0x400  }
0x1f: {  	[sflag:s31] =	ssyncset.done $0x0  }
0x20: {  	[sflag:s31] =	ssyncadd.s32 $0xFFFFFC00  }
0x21: {  	_ =	swait.ge [sflag:s31], $0x400  }
0x22: {  	[sflag:s31] =	ssyncset.done $0x0  }
0x23: {  	s11 =	simm.s32 $0x0;
	[sflag:s31] =	ssyncadd.s32 $0xFFFFFC00  }
0x24: {  	v0 =	vimm.f32 $0.0e+00;
	v1 =	vimm.f32 $1.000000000e+00;
	s8 =	simm.s32 $0x800;
	s6 =	simm.s32 $0x1000;
	s10 =	simm.s32 $0x40;
	v2 =	vld [tilespmem:s11+$0x0]  }
.LBB2_3:
0x25: {  	p0 =	sne.s32 s10, $0xFC0;
	_ =	sdelay $0x3  }
0x26: {  	v3 =	vadd.f32 $1.100000000e+01, v2;
	_ =	sdelay $0x1  }
0x27: {  	v3 =	vmul.f32 $9.525581350e+01, v3  }
0x28: {  	v4 =	vld [tilespmem:s11+$0x400]  }
0x29: {  	v3 =	vtrunc.f32 v3  }
0x2a: {  	v3 =	vcvt.f32.s32 v3;
	_ =	sdelay $0x1  }
0x2b: {  	vm0 =	vgt.s32 v3, $0x0  }
0x2c: {  	vm1 =	veq.s32 v4, $0x0;
	v3 =	vnsel vm0, $0x0, v3  }
0x2d: {  	v3 =	vmin.u32 v3, $0x7FF;
	v4 =	vsel vm1, $0x0, v1  }
0x2e: {  	v0 =	vadd.f32 v4, v0;
	_ =	sdelay $0x1  }
.Ltmp1:
0x2f: {  	(pc) =	sbr.rel @p0 .LBB2_3-.Ltmp1, $4  }
0x30: {  	_ = 	snop  }
0x31: {  	[tilespmem:v3+s8+$0x0] =	vst.idx.add.f32.msk vm1, v1  }
0x32: {  	s11 =	sshra.s32 s10, $0x2;
	[tilespmem:v3+s6+$0x0] =	vst.idx.add.f32.msk vm1, v2  }
0x33: {  	s10 =	sadd.s32 $0x40, s10;
	v2 =	vld [tilespmem:s11+$0x0]  }
0x34: {  	_ =	sdelay $0x3  }
0x35: {  	v3 =	vadd.f32 $1.100000000e+01, v2;
	_ =	sdelay $0x1  }
0x36: {  	v3 =	vmul.f32 $9.525581350e+01, v3  }
0x37: {  	v4 =	vld [tilespmem:s11+$0x400]  }
0x38: {  	v3 =	vtrunc.f32 v3  }
0x39: {  	v3 =	vcvt.f32.s32 v3;
	_ =	sdelay $0x1  }
0x3a: {  	vm1 =	vgt.s32 v3, $0x0  }
0x3b: {  	vm0 =	veq.s32 v4, $0x0;
	v3 =	vnsel vm1, $0x0, v3  }
0x3c: {  	v3 =	vmin.u32 v3, $0x7FF;
	_ =	sdelay $0x4  }
0x3d: {  	s10 =	sshll.u32 s5, $0xC;
	s23 =	simm.s32 $0x80;
	[tilespmem:v3+s8+$0x0] =	vst.idx.add.f32.msk vm0, v1  }
0x3e: {  	s24 =	simm.s32 $0x100;
	s25 =	simm.s32 $0x800;
	s22 =	sadd.s32 s10, s9;
	[tilespmem:v3+s6+$0x0] =	vst.idx.add.f32.msk vm0, v2  }
0x3f: {  	[spmem:s22] =	stream.strided.scatter [tilespmem:s25], [sflag:$0x1], $0x800, s24, s23, $0x38;
	[tilespmem:$0x55A8] =	vst v63  }
0x40: {  	s26 =	simm.s32 $0x1000;
	s8 =	sadd.s32 $0x80, s22  }
0x41: {  	[spmem:s8] =	stream.strided.scatter [tilespmem:s26], [sflag:$0x1], $0x800, s24, s23, $0x38;
	[tilespmem:$0x55A8] =	vst v63  }
0x42: {  	s8 =	simm.s32 $0x1  }
0x43: {  	_ =	swait.ge [sflag:s8], $0x800  }
0x44: {  	[sflag:s8] =	ssyncset.done $0x0  }
0x45: {  	[sflag:s8] =	ssyncadd.s32 $0xFFFFF800  }
0x46: {  	_ =	swait.ge [sflag:s8], $0x800  }
0x47: {  	s28 =	sshll.u32 s5, $0xA;
	[sflag:s8] =	ssyncset.done $0x0  }
0x48: {  	s6 =	sshrl.u32 s28, $0x2;
	[sflag:s8] =	ssyncadd.s32 $0xFFFFF800  }
0x49: {  	s29 =	simm.s32 $0x1800;
	s9 =	sadd.s32 s6, s9;
	[bflag:$0x0] =	sbarrier.arrive $0xFFFF  }
0x4a: {  	[tilespmem:s29], [sflag:$0x1] =	stream.linear.gather [spmem:s9], $0x80, $0x38;
	[tilespmem:$0x55A8] =	vst v63  }
0x4b: {  	s31 =	simm.s32 $0x2000;
	s30 =	sadd.s32 $0x80, s9  }
0x4c: {  	[tilespmem:s31], [sflag:$0x1] =	stream.linear.gather [spmem:s30], $0x80, $0x38;
	[tilespmem:$0x55A8] =	vst v63  }
0x4d: {  	s12 =	simm.s32 $0x1880;
	s11 =	sadd.s32 $0x1000, s9  }
0x4e: {  	[tilespmem:s12], [sflag:$0x1] =	stream.linear.gather [spmem:s11], $0x80, $0x38;
	[tilespmem:$0x55A8] =	vst v63  }
0x4f: {  	s14 =	simm.s32 $0x2080;
	s13 =	sadd.s32 $0x1080, s9  }
0x50: {  	[tilespmem:s14], [sflag:$0x1] =	stream.linear.gather [spmem:s13], $0x80, $0x38;
	[tilespmem:$0x55A8] =	vst v63  }
0x51: {  	s16 =	simm.s32 $0x1900;
	s15 =	sadd.s32 $0x2000, s9  }
0x52: {  	[tilespmem:s16], [sflag:$0x1] =	stream.linear.gather [spmem:s15], $0x80, $0x38;
	[tilespmem:$0x55A8] =	vst v63  }
0x53: {  	s18 =	simm.s32 $0x2100;
	s17 =	sadd.s32 $0x2080, s9  }
0x54: {  	[tilespmem:s18], [sflag:$0x1] =	stream.linear.gather [spmem:s17], $0x80, $0x38;
	[tilespmem:$0x55A8] =	vst v63  }
0x55: {  	s20 =	simm.s32 $0x1980;
	s19 =	sadd.s32 $0x3000, s9  }
0x56: {  	[tilespmem:s20], [sflag:$0x1] =	stream.linear.gather [spmem:s19], $0x80, $0x38;
	[tilespmem:$0x55A8] =	vst v63  }
0x57: {  	s22 =	simm.s32 $0x2180;
	s21 =	sadd.s32 $0x3080, s9  }
0x58: {  	[tilespmem:s22], [sflag:$0x1] =	stream.linear.gather [spmem:s21], $0x80, $0x38;
	[tilespmem:$0x55A8] =	vst v63  }
0x59: {  	s23 =	sadd.s32 $0x4000, s9;
	s24 =	simm.s32 $0x1A00  }
0x5a: {  	[tilespmem:s24], [sflag:$0x1] =	stream.linear.gather [spmem:s23], $0x80, $0x38;
	[tilespmem:$0x55A8] =	vst v63  }
0x5b: {  	s25 =	sadd.s32 $0x4080, s9;
	s26 =	simm.s32 $0x2200  }
0x5c: {  	[tilespmem:s26], [sflag:$0x1] =	stream.linear.gather [spmem:s25], $0x80, $0x38;
	[tilespmem:$0x55A8] =	vst v63  }
0x5d: {  	s28 =	sadd.s32 $0x5000, s9;
	s29 =	simm.s32 $0x1A80  }
0x5e: {  	[tilespmem:s29], [sflag:$0x1] =	stream.linear.gather [spmem:s28], $0x80, $0x38;
	[tilespmem:$0x55A8] =	vst v63  }
0x5f: {  	s30 =	sadd.s32 $0x5080, s9;
	s31 =	simm.s32 $0x2280  }
0x60: {  	[tilespmem:s31], [sflag:$0x1] =	stream.linear.gather [spmem:s30], $0x80, $0x38;
	[tilespmem:$0x55A8] =	vst v63  }
0x61: {  	s11 =	sadd.s32 $0x6000, s9;
	s12 =	simm.s32 $0x1B00  }
0x62: {  	[tilespmem:s12], [sflag:$0x1] =	stream.linear.gather [spmem:s11], $0x80, $0x38;
	[tilespmem:$0x55A8] =	vst v63  }
0x63: {  	s13 =	sadd.s32 $0x6080, s9;
	s14 =	simm.s32 $0x2300  }
0x64: {  	[tilespmem:s14], [sflag:$0x1] =	stream.linear.gather [spmem:s13], $0x80, $0x38;
	[tilespmem:$0x55A8] =	vst v63  }
0x65: {  	s15 =	sadd.s32 $0x7000, s9;
	s16 =	simm.s32 $0x1B80  }
0x66: {  	[tilespmem:s16], [sflag:$0x1] =	stream.linear.gather [spmem:s15], $0x80, $0x38;
	[tilespmem:$0x55A8] =	vst v63  }
0x67: {  	s17 =	sadd.s32 $0x7080, s9;
	s18 =	simm.s32 $0x2380  }
0x68: {  	[tilespmem:s18], [sflag:$0x1] =	stream.linear.gather [spmem:s17], $0x80, $0x38;
	[tilespmem:$0x55A8] =	vst v63  }
0x69: {  	s19 =	sadd.s32 $0x8000, s9;
	s20 =	simm.s32 $0x1C00  }
0x6a: {  	[tilespmem:s20], [sflag:$0x1] =	stream.linear.gather [spmem:s19], $0x80, $0x38;
	[tilespmem:$0x55A8] =	vst v63  }
0x6b: {  	s21 =	sadd.s32 $0x8080, s9;
	s22 =	simm.s32 $0x2400  }
0x6c: {  	[tilespmem:s22], [sflag:$0x1] =	stream.linear.gather [spmem:s21], $0x80, $0x38;
	[tilespmem:$0x55A8] =	vst v63  }
0x6d: {  	s23 =	sadd.s32 $0x9000, s9;
	s24 =	simm.s32 $0x1C80  }
0x6e: {  	[tilespmem:s24], [sflag:$0x1] =	stream.linear.gather [spmem:s23], $0x80, $0x38;
	[tilespmem:$0x55A8] =	vst v63  }
0x6f: {  	s25 =	sadd.s32 $0x9080, s9;
	s26 =	simm.s32 $0x2480  }
0x70: {  	[tilespmem:s26], [sflag:$0x1] =	stream.linear.gather [spmem:s25], $0x80, $0x38;
	[tilespmem:$0x55A8] =	vst v63  }
0x71: {  	s28 =	sadd.s32 $0xA000, s9;
	s29 =	simm.s32 $0x1D00  }
0x72: {  	[tilespmem:s29], [sflag:$0x1] =	stream.linear.gather [spmem:s28], $0x80, $0x38;
	[tilespmem:$0x55A8] =	vst v63  }
0x73: {  	s30 =	sadd.s32 $0xA080, s9;
	s31 =	simm.s32 $0x2500  }
0x74: {  	[tilespmem:s31], [sflag:$0x1] =	stream.linear.gather [spmem:s30], $0x80, $0x38;
	[tilespmem:$0x55A8] =	vst v63  }
0x75: {  	s12 =	sadd.s32 $0xB000, s9;
	s13 =	simm.s32 $0x1D80  }
0x76: {  	[tilespmem:s13], [sflag:$0x1] =	stream.linear.gather [spmem:s12], $0x80, $0x38;
	[tilespmem:$0x55A8] =	vst v63  }
0x77: {  	s14 =	sadd.s32 $0xB080, s9;
	s15 =	simm.s32 $0x2580  }
0x78: {  	[tilespmem:s15], [sflag:$0x1] =	stream.linear.gather [spmem:s14], $0x80, $0x38;
	[tilespmem:$0x55A8] =	vst v63  }
0x79: {  	s16 =	sadd.s32 $0xC000, s9;
	s17 =	simm.s32 $0x1E00  }
0x7a: {  	[tilespmem:s17], [sflag:$0x1] =	stream.linear.gather [spmem:s16], $0x80, $0x38;
	[tilespmem:$0x55A8] =	vst v63  }
0x7b: {  	s18 =	sadd.s32 $0xC080, s9;
	s19 =	simm.s32 $0x2600  }
0x7c: {  	[tilespmem:s19], [sflag:$0x1] =	stream.linear.gather [spmem:s18], $0x80, $0x38;
	[tilespmem:$0x55A8] =	vst v63  }
0x7d: {  	s20 =	sadd.s32 $0xD000, s9;
	s21 =	simm.s32 $0x1E80  }
0x7e: {  	[tilespmem:s21], [sflag:$0x1] =	stream.linear.gather [spmem:s20], $0x80, $0x38;
	[tilespmem:$0x55A8] =	vst v63  }
0x7f: {  	s22 =	sadd.s32 $0xD080, s9;
	s23 =	simm.s32 $0x2680  }
0x80: {  	[tilespmem:s23], [sflag:$0x1] =	stream.linear.gather [spmem:s22], $0x80, $0x38;
	[tilespmem:$0x55A8] =	vst v63  }
0x81: {  	s24 =	sadd.s32 $0xE000, s9;
	s25 =	simm.s32 $0x1F00  }
0x82: {  	[tilespmem:s25], [sflag:$0x1] =	stream.linear.gather [spmem:s24], $0x80, $0x38;
	[tilespmem:$0x55A8] =	vst v63  }
0x83: {  	s26 =	sadd.s32 $0xE080, s9;
	s28 =	simm.s32 $0x2700  }
0x84: {  	[tilespmem:s28], [sflag:$0x1] =	stream.linear.gather [spmem:s26], $0x80, $0x38;
	[tilespmem:$0x55A8] =	vst v63  }
0x85: {  	s29 =	sadd.s32 $0xF000, s9;
	s30 =	simm.s32 $0x1F80  }
0x86: {  	[tilespmem:s30], [sflag:$0x1] =	stream.linear.gather [spmem:s29], $0x80, $0x38;
	[tilespmem:$0x55A8] =	vst v63  }
0x87: {  	s9 =	sadd.s32 $0xF080, s9;
	s31 =	simm.s32 $0x2780  }
0x88: {  	[tilespmem:s31], [sflag:$0x1] =	stream.linear.gather [spmem:s9], $0x80, $0x38;
	[tilespmem:$0x55A8] =	vst v63  }
0x89: {  	_ =	swait.ge [sflag:s8], $0x80  }
0x8a: {  	[sflag:s8] =	ssyncset.done $0x0  }
0x8b: {  	[sflag:s8] =	ssyncadd.s32 $0xFFFFFF80  }
0x8c: {  	_ =	swait.ge [sflag:s8], $0x80  }
0x8d: {  	[sflag:s8] =	ssyncset.done $0x0  }
0x8e: {  	[sflag:s8] =	ssyncadd.s32 $0xFFFFFF80  }
0x8f: {  	_ =	swait.ge [sflag:s8], $0x80  }
0x90: {  	[sflag:s8] =	ssyncset.done $0x0  }
0x91: {  	[sflag:s8] =	ssyncadd.s32 $0xFFFFFF80  }
0x92: {  	_ =	swait.ge [sflag:s8], $0x80  }
0x93: {  	[sflag:s8] =	ssyncset.done $0x0  }
0x94: {  	[sflag:s8] =	ssyncadd.s32 $0xFFFFFF80  }
0x95: {  	_ =	swait.ge [sflag:s8], $0x80  }
0x96: {  	[sflag:s8] =	ssyncset.done $0x0  }
0x97: {  	[sflag:s8] =	ssyncadd.s32 $0xFFFFFF80  }
0x98: {  	_ =	swait.ge [sflag:s8], $0x80  }
0x99: {  	[sflag:s8] =	ssyncset.done $0x0  }
0x9a: {  	[sflag:s8] =	ssyncadd.s32 $0xFFFFFF80  }
0x9b: {  	_ =	swait.ge [sflag:s8], $0x80  }
0x9c: {  	[sflag:s8] =	ssyncset.done $0x0  }
0x9d: {  	[sflag:s8] =	ssyncadd.s32 $0xFFFFFF80  }
0x9e: {  	_ =	swait.ge [sflag:s8], $0x80  }
0x9f: {  	[sflag:s8] =	ssyncset.done $0x0  }
0xa0: {  	[sflag:s8] =	ssyncadd.s32 $0xFFFFFF80  }
0xa1: {  	_ =	swait.ge [sflag:s8], $0x80  }
0xa2: {  	[sflag:s8] =	ssyncset.done $0x0  }
0xa3: {  	[sflag:s8] =	ssyncadd.s32 $0xFFFFFF80  }
0xa4: {  	_ =	swait.ge [sflag:s8], $0x80  }
0xa5: {  	[sflag:s8] =	ssyncset.done $0x0  }
0xa6: {  	[sflag:s8] =	ssyncadd.s32 $0xFFFFFF80  }
0xa7: {  	_ =	swait.ge [sflag:s8], $0x80  }
0xa8: {  	[sflag:s8] =	ssyncset.done $0x0  }
0xa9: {  	[sflag:s8] =	ssyncadd.s32 $0xFFFFFF80  }
0xaa: {  	_ =	swait.ge [sflag:s8], $0x80  }
0xab: {  	[sflag:s8] =	ssyncset.done $0x0  }
0xac: {  	[sflag:s8] =	ssyncadd.s32 $0xFFFFFF80  }
0xad: {  	_ =	swait.ge [sflag:s8], $0x80  }
0xae: {  	[sflag:s8] =	ssyncset.done $0x0  }
0xaf: {  	[sflag:s8] =	ssyncadd.s32 $0xFFFFFF80  }
0xb0: {  	_ =	swait.ge [sflag:s8], $0x80  }
0xb1: {  	[sflag:s8] =	ssyncset.done $0x0  }
0xb2: {  	[sflag:s8] =	ssyncadd.s32 $0xFFFFFF80  }
0xb3: {  	_ =	swait.ge [sflag:s8], $0x80  }
0xb4: {  	[sflag:s8] =	ssyncset.done $0x0  }
0xb5: {  	[sflag:s8] =	ssyncadd.s32 $0xFFFFFF80  }
0xb6: {  	_ =	swait.ge [sflag:s8], $0x80  }
0xb7: {  	[sflag:s8] =	ssyncset.done $0x0  }
0xb8: {  	[sflag:s8] =	ssyncadd.s32 $0xFFFFFF80  }
0xb9: {  	_ =	swait.ge [sflag:s8], $0x80  }
0xba: {  	[sflag:s8] =	ssyncset.done $0x0  }
0xbb: {  	[sflag:s8] =	ssyncadd.s32 $0xFFFFFF80  }
0xbc: {  	_ =	swait.ge [sflag:s8], $0x80  }
0xbd: {  	[sflag:s8] =	ssyncset.done $0x0  }
0xbe: {  	[sflag:s8] =	ssyncadd.s32 $0xFFFFFF80  }
0xbf: {  	_ =	swait.ge [sflag:s8], $0x80  }
0xc0: {  	[sflag:s8] =	ssyncset.done $0x0  }
0xc1: {  	[sflag:s8] =	ssyncadd.s32 $0xFFFFFF80  }
0xc2: {  	_ =	swait.ge [sflag:s8], $0x80  }
0xc3: {  	[sflag:s8] =	ssyncset.done $0x0  }
0xc4: {  	[sflag:s8] =	ssyncadd.s32 $0xFFFFFF80  }
0xc5: {  	_ =	swait.ge [sflag:s8], $0x80  }
0xc6: {  	[sflag:s8] =	ssyncset.done $0x0  }
0xc7: {  	[sflag:s8] =	ssyncadd.s32 $0xFFFFFF80  }
0xc8: {  	_ =	swait.ge [sflag:s8], $0x80  }
0xc9: {  	[sflag:s8] =	ssyncset.done $0x0  }
0xca: {  	[sflag:s8] =	ssyncadd.s32 $0xFFFFFF80  }
0xcb: {  	_ =	swait.ge [sflag:s8], $0x80  }
0xcc: {  	[sflag:s8] =	ssyncset.done $0x0  }
0xcd: {  	[sflag:s8] =	ssyncadd.s32 $0xFFFFFF80  }
0xce: {  	_ =	swait.ge [sflag:s8], $0x80  }
0xcf: {  	[sflag:s8] =	ssyncset.done $0x0  }
0xd0: {  	[sflag:s8] =	ssyncadd.s32 $0xFFFFFF80  }
0xd1: {  	_ =	swait.ge [sflag:s8], $0x80  }
0xd2: {  	[sflag:s8] =	ssyncset.done $0x0  }
0xd3: {  	[sflag:s8] =	ssyncadd.s32 $0xFFFFFF80  }
0xd4: {  	_ =	swait.ge [sflag:s8], $0x80  }
0xd5: {  	[sflag:s8] =	ssyncset.done $0x0  }
0xd6: {  	[sflag:s8] =	ssyncadd.s32 $0xFFFFFF80  }
0xd7: {  	_ =	swait.ge [sflag:s8], $0x80  }
0xd8: {  	[sflag:s8] =	ssyncset.done $0x0  }
0xd9: {  	[sflag:s8] =	ssyncadd.s32 $0xFFFFFF80  }
0xda: {  	_ =	swait.ge [sflag:s8], $0x80  }
0xdb: {  	[sflag:s8] =	ssyncset.done $0x0  }
0xdc: {  	[sflag:s8] =	ssyncadd.s32 $0xFFFFFF80  }
0xdd: {  	_ =	swait.ge [sflag:s8], $0x80  }
0xde: {  	[sflag:s8] =	ssyncset.done $0x0  }
0xdf: {  	[sflag:s8] =	ssyncadd.s32 $0xFFFFFF80  }
0xe0: {  	_ =	swait.ge [sflag:s8], $0x80  }
0xe1: {  	[sflag:s8] =	ssyncset.done $0x0  }
0xe2: {  	[sflag:s8] =	ssyncadd.s32 $0xFFFFFF80  }
0xe3: {  	_ =	swait.ge [sflag:s8], $0x80  }
0xe4: {  	[sflag:s8] =	ssyncset.done $0x0  }
0xe5: {  	[sflag:s8] =	ssyncadd.s32 $0xFFFFFF80  }
0xe6: {  	_ =	swait.ge [sflag:s8], $0x80  }
0xe7: {  	[sflag:s8] =	ssyncset.done $0x0  }
0xe8: {  	[sflag:s8] =	ssyncadd.s32 $0xFFFFFF80;
	s8 =	simm.s32 $0x0  }
0xe9: {  	v2 =	vld [tilespmem:s8+$0x2000]  }
0xea: {  	v3 =	vld [tilespmem:s8+$0x2080]  }
0xeb: {  	v4 =	vld [tilespmem:s8+$0x1800]  }
0xec: {  	v5 =	vld [tilespmem:s8+$0x2100]  }
0xed: {  	v6 =	vld [tilespmem:s8+$0x1880]  }
0xee: {  	v7 =	vld [tilespmem:s8+$0x2180]  }
0xef: {  	v2 =	vadd.f32 v3, v2;
	v3 =	vld [tilespmem:s8+$0x1900]  }
0xf0: {  	v8 =	vld [tilespmem:s8+$0x2200]  }
0xf1: {  	v2 =	vadd.f32 v5, v2;
	v5 =	vld [tilespmem:s8+$0x1980]  }
0xf2: {  	v9 =	vld [tilespmem:s8+$0x2280];
	v4 =	vadd.f32 v6, v4  }
0xf3: {  	v6 =	vld [tilespmem:s8+$0x1A00];
	v2 =	vadd.f32 v7, v2  }
0xf4: {  	v7 =	vld [tilespmem:s8+$0x2300];
	v3 =	vadd.f32 v3, v4  }
0xf5: {  	v4 =	vld [tilespmem:s8+$0x1A80];
	v2 =	vadd.f32 v8, v2  }
0xf6: {  	v8 =	vld [tilespmem:s8+$0x2380];
	v3 =	vadd.f32 v5, v3  }
0xf7: {  	v5 =	vld [tilespmem:s8+$0x1B00];
	v2 =	vadd.f32 v9, v2  }
0xf8: {  	v9 =	vld [tilespmem:s8+$0x2400];
	v3 =	vadd.f32 v6, v3  }
0xf9: {  	v6 =	vld [tilespmem:s8+$0x1B80];
	v2 =	vadd.f32 v7, v2  }
0xfa: {  	v7 =	vld [tilespmem:s8+$0x2480];
	v3 =	vadd.f32 v4, v3  }
0xfb: {  	v4 =	vld [tilespmem:s8+$0x1C00];
	v2 =	vadd.f32 v8, v2  }
0xfc: {  	v8 =	vld [tilespmem:s8+$0x2500];
	v3 =	vadd.f32 v5, v3  }
0xfd: {  	v5 =	vld [tilespmem:s8+$0x1C80];
	v2 =	vadd.f32 v9, v2  }
0xfe: {  	v9 =	vld [tilespmem:s8+$0x2580];
	v3 =	vadd.f32 v6, v3  }
0xff: {  	v6 =	vld [tilespmem:s8+$0x1D00];
	v2 =	vadd.f32 v7, v2  }
0x100: {  	v7 =	vld [tilespmem:s8+$0x2600];
	v3 =	vadd.f32 v4, v3  }
0x101: {  	v4 =	vld [tilespmem:s8+$0x1D80];
	v2 =	vadd.f32 v8, v2  }
0x102: {  	v8 =	vld [tilespmem:s8+$0x2680];
	v3 =	vadd.f32 v5, v3  }
0x103: {  	v2 =	vadd.f32 v9, v2;
	v9 =	vld [tilespmem:s8+$0x1E00]  }
0x104: {  	v10 =	vld [tilespmem:s8+$0x2700];
	v3 =	vadd.f32 v6, v3  }
0x105: {  	v5 =	vld [tilespmem:s8+$0x1E80];
	v2 =	vadd.f32 v7, v2  }
0x106: {  	v6 =	vld [tilespmem:s8+$0x2780];
	v3 =	vadd.f32 v4, v3  }
0x107: {  	v1 =	vsel vm0, $0x0, v1;
	v7 =	vld [tilespmem:s8+$0x1F00];
	v2 =	vadd.f32 v8, v2  }
0x108: {  	v0 =	vadd.f32 v1, v0;
	s9 =	simm.s32 $0x10;
	v4 =	vld [tilespmem:s8+$0x1F80];
	v8 =	vadd.f32 v9, v3  }
0x109: {  	s10 =	simm.s32 $0x80;
	v1 =	vimm.f32 $0.0e+00;
	v3 =	vld [tilespmem:s9+$0x2000];
	v9 =	vadd.f32 v10, v2;
	v2 =	vimm.f32 $0.0e+00  }
.LBB2_5:
0x10a: {  	p0 =	sne.s32 s10, $0x1C0;
	v10 =	vld [tilespmem:s9+$0x2080];
	v5 =	vadd.f32 v5, v8  }
0x10b: {  	v8 =	vld [tilespmem:s9+$0x1800];
	v6 =	vadd.f32 v6, v9  }
0x10c: {  	v9 =	vld [tilespmem:s9+$0x2100];
	v5 =	vadd.f32 v7, v5  }
0x10d: {  	v7 =	vld [tilespmem:s9+$0x1880];
	[tilespmem:s8+$0x2880] =	vst v6;
	v1 =	vadd.f32 v6, v1  }
0x10e: {  	v6 =	vld [tilespmem:s9+$0x2180];
	v4 =	vadd.f32 v4, v5  }
0x10f: {  	v3 =	vadd.f32 v10, v3;
	v5 =	vld [tilespmem:s9+$0x1900]  }
0x110: {  	v10 =	vld [tilespmem:s9+$0x2200];
	[tilespmem:s8+$0x2800] =	vst v4;
	v2 =	vadd.f32 v4, v2;
	s8 =	smov.u32 s9  }
0x111: {  	v3 =	vadd.f32 v9, v3;
	v4 =	vld [tilespmem:s8+$0x1980]  }
0x112: {  	v7 =	vadd.f32 v7, v8;
	v8 =	vld [tilespmem:s8+$0x2280]  }
0x113: {  	v3 =	vadd.f32 v6, v3;
	v6 =	vld [tilespmem:s8+$0x1A00]  }
0x114: {  	v5 =	vadd.f32 v5, v7;
	v7 =	vld [tilespmem:s8+$0x2300]  }
0x115: {  	v3 =	vadd.f32 v10, v3;
	v9 =	vld [tilespmem:s8+$0x1A80]  }
0x116: {  	v4 =	vadd.f32 v4, v5;
	v5 =	vld [tilespmem:s8+$0x2380]  }
0x117: {  	v3 =	vadd.f32 v8, v3;
	v8 =	vld [tilespmem:s8+$0x1B00]  }
0x118: {  	v4 =	vadd.f32 v6, v4;
	v6 =	vld [tilespmem:s8+$0x2400]  }
0x119: {  	v3 =	vadd.f32 v7, v3;
	v7 =	vld [tilespmem:s8+$0x1B80]  }
0x11a: {  	v4 =	vadd.f32 v9, v4;
	v9 =	vld [tilespmem:s8+$0x2480]  }
0x11b: {  	v3 =	vadd.f32 v5, v3;
	v5 =	vld [tilespmem:s8+$0x1C00]  }
0x11c: {  	v4 =	vadd.f32 v8, v4;
	v8 =	vld [tilespmem:s8+$0x2500]  }
0x11d: {  	v3 =	vadd.f32 v6, v3;
	v6 =	vld [tilespmem:s8+$0x1C80]  }
0x11e: {  	v4 =	vadd.f32 v7, v4;
	v7 =	vld [tilespmem:s8+$0x2580]  }
0x11f: {  	v3 =	vadd.f32 v9, v3;
	v9 =	vld [tilespmem:s8+$0x1D00]  }
0x120: {  	v4 =	vadd.f32 v5, v4;
	v5 =	vld [tilespmem:s8+$0x2600]  }
0x121: {  	v3 =	vadd.f32 v8, v3;
	v8 =	vld [tilespmem:s8+$0x1D80]  }
0x122: {  	v4 =	vadd.f32 v6, v4;
	v10 =	vld [tilespmem:s8+$0x2680]  }
0x123: {  	v3 =	vadd.f32 v7, v3;
	v11 =	vld [tilespmem:s8+$0x1E00]  }
0x124: {  	v4 =	vadd.f32 v9, v4;
	v9 =	vld [tilespmem:s8+$0x2700]  }
.Ltmp2:
0x125: {  	v3 =	vadd.f32 v5, v3;
	v5 =	vld [tilespmem:s8+$0x1E80];
	(pc) =	sbr.rel @p0 .LBB2_5-.Ltmp2, $4  }
0x126: {  	v4 =	vadd.f32 v8, v4;
	v6 =	vld [tilespmem:s8+$0x2780]  }
0x127: {  	v10 =	vadd.f32 v10, v3;
	v7 =	vld [tilespmem:s8+$0x1F00]  }
0x128: {  	s9 =	sshra.s32 s10, $0x2;
	v8 =	vadd.f32 v11, v4;
	v4 =	vld [tilespmem:s8+$0x1F80]  }
0x129: {  	s10 =	sadd.s32 $0x40, s10;
	v3 =	vld [tilespmem:s9+$0x2000];
	v9 =	vadd.f32 v9, v10  }
0x12a: {  	v10 =	vld [tilespmem:s9+$0x2080];
	v5 =	vadd.f32 v5, v8  }
0x12b: {  	v11 =	vld [tilespmem:s9+$0x1800];
	v6 =	vadd.f32 v6, v9  }
0x12c: {  	v37 =	vld [tilespmem:s9+$0x2100];
	v5 =	vadd.f32 v7, v5  }
0x12d: {  	v38 =	vld [tilespmem:s9+$0x1880];
	[tilespmem:s8+$0x2880] =	vst v6  }
0x12e: {  	v39 =	vld [tilespmem:s9+$0x2180];
	v4 =	vadd.f32 v4, v5  }
0x12f: {  	v5 =	vld [tilespmem:s9+$0x1900]  }
0x130: {  	v12 =	vld [tilespmem:s9+$0x2200];
	[tilespmem:s8+$0x2800] =	vst v4  }
0x131: {  	v13 =	vld [tilespmem:s9+$0x1980]  }
0x132: {  	v9 =	vadd.f32 v38, v11  }
0x133: {  	v3 =	vadd.f32 v10, v3;
	v40 =	vld [tilespmem:s9+$0x1A00]  }
0x134: {  	v5 =	vadd.f32 v5, v9  }
0x135: {  	v3 =	vadd.f32 v37, v3;
	v41 =	vld [tilespmem:s9+$0x1A80]  }
0x136: {  	v42 =	vld [tilespmem:s9+$0x2280];
	v5 =	vadd.f32 v13, v5  }
0x137: {  	v43 =	vld [tilespmem:s9+$0x1B00];
	v3 =	vadd.f32 v39, v3  }
0x138: {  	v44 =	vld [tilespmem:s9+$0x2300];
	v5 =	vadd.f32 v40, v5  }
0x139: {  	v45 =	vld [tilespmem:s9+$0x1B80];
	v3 =	vadd.f32 v12, v3  }
0x13a: {  	v46 =	vld [tilespmem:s9+$0x2380];
	v5 =	vadd.f32 v41, v5  }
0x13b: {  	v47 =	vld [tilespmem:s9+$0x1C00];
	v3 =	vadd.f32 v42, v3  }
0x13c: {  	v48 =	vld [tilespmem:s9+$0x2400];
	v5 =	vadd.f32 v43, v5  }
0x13d: {  	v49 =	vld [tilespmem:s9+$0x1C80];
	v3 =	vadd.f32 v44, v3  }
0x13e: {  	v50 =	vld [tilespmem:s9+$0x2480];
	v5 =	vadd.f32 v45, v5  }
0x13f: {  	v51 =	vld [tilespmem:s9+$0x1D00];
	v3 =	vadd.f32 v46, v3  }
0x140: {  	v52 =	vld [tilespmem:s9+$0x2500];
	v5 =	vadd.f32 v47, v5  }
0x141: {  	v53 =	vld [tilespmem:s9+$0x1D80];
	v3 =	vadd.f32 v48, v3  }
0x142: {  	v54 =	vld [tilespmem:s9+$0x2580];
	v5 =	vadd.f32 v49, v5  }
0x143: {  	v55 =	vld [tilespmem:s9+$0x1E00];
	v3 =	vadd.f32 v50, v3  }
0x144: {  	v56 =	vld [tilespmem:s9+$0x2600];
	v5 =	vadd.f32 v51, v5  }
0x145: {  	v57 =	vld [tilespmem:s9+$0x1E80];
	v3 =	vadd.f32 v52, v3  }
0x146: {  	v58 =	vld [tilespmem:s9+$0x2680];
	v5 =	vadd.f32 v53, v5  }
0x147: {  	v59 =	vld [tilespmem:s9+$0x1F00];
	v3 =	vadd.f32 v54, v3  }
0x148: {  	v60 =	vld [tilespmem:s9+$0x2700];
	v5 =	vadd.f32 v55, v5  }
0x149: {  	v61 =	vld [tilespmem:s9+$0x1F80];
	v3 =	vadd.f32 v56, v3  }
0x14a: {  	v62 =	vld [tilespmem:s9+$0x2780];
	v5 =	vadd.f32 v57, v5  }
0x14b: {  	v3 =	vadd.f32 v58, v3  }
0x14c: {  	v5 =	vadd.f32 v59, v5  }
0x14d: {  	v3 =	vadd.f32 v60, v3  }
0x14e: {  	v2 =	vadd.f32 v4, v2;
	v4 =	vadd.f32 v61, v5  }
0x14f: {  	v1 =	vadd.f32 v6, v1;
	v3 =	vadd.f32 v62, v3  }
0x150: {  	v2 =	vadd.f32 v4, v2  }
0x151: {  	v1 =	vadd.f32 v3, v1  }
0x152: {  	(xrf2) =	vadd.scan.msk.f32 $0xffff, v2  }
0x153: {  	(xrf2) =	vadd.scan.msk.f32 $0xffff, v1;
	_ =	sdelay $0x8  }
0x154: {  	v1, _, _ =	vpop (xrf2)  }
0x155: {  	v2, _, _ =	vpop (xrf2)  }
0x156: {  	v2 =	vbroadcast v2, $0xF  }
0x157: {  	vm0 =	vcmask $0x704;
	v1 =	vbroadcast v1, $0xF  }
0x158: {  	vm1 =	vcmask $0x3F04;
	[tilespmem:s9+$0x2880] =	vst v3;
	v2 =	vnsel vm0, $0x0, v2  }
0x159: {  	[tilespmem:s9+$0x2800] =	vst v4;
	v1 =	vsel vm1, v2, v1  }
0x15a: {  	s28 =	sadd.s32 s3, s7;
	s29 =	simm.s32 $0x3B00;
	s30 =	simm.s32 $0x2;
	[tilespmem:$0x3B00] =	vst v1  }
0x15b: {  	[spmem:s28] =	stream.linear.scatter [tilespmem:s29], [sflag:$0x2], $0x80, $0x38;
	[tilespmem:$0x55A8] =	vst v63  }
0x15c: {  	_ =	swait.ge [sflag:s30], $0x80  }
0x15d: {  	v1 =	vlaneseq.u32;
	[sflag:s30] =	ssyncset.done $0x0  }
0x15e: {  	v2 =	vmul.u32 $0x80, v1;
	[sflag:s30] =	ssyncadd.s32 $0xFFFFFF80  }
0x15f: {  	s31 =	simm.s32 $0x3C80;
	[bflag:$0x0] =	sbarrier.arrive $0xFFFF  }
0x160: {  	[tilespmem:s31], [sflag:$0x2] =	stream.linear.gather [spmem:s7], $0x800, $0x38;
	[tilespmem:$0x55A8] =	vst v63  }
0x161: {  	_ =	swait.ge [sflag:s30], $0x800  }
0x162: {  	v3 =	vor.u32 $0x1, v2;
	[sflag:s30] =	ssyncset.done $0x0  }
0x163: {  	[sflag:s30] =	ssyncadd.s32 $0xFFFFF800  }
0x164: {  	v2 =	vld.idx.msk [tilespmem:v2+s31+$0x0], $0xffff;
	_ =	sdelay $0x2  }
0x165: {  	v4 =	vmov s5;
	v3 =	vld.idx.msk [tilespmem:v3+s31+$0x0], $0xffff  }
0x166: {  	vm2 =	vlt.u32 v4, v1  }
0x167: {  	v2 =	vnsel vm2, $0x0, v2  }
0x168: {  	(xrf2) =	vadd.scan.msk.f32 $0xffff, v2;
	_ =	sdelay $0x1  }
0x169: {  	v2 =	vnsel vm2, $0x0, v3  }
0x16a: {  	(xrf2) =	vadd.scan.msk.f32 $0xffff, v2;
	_ =	sdelay $0x5  }
0x16b: {  	s7 =	simm.s32 $0x70  }
0x16c: {  	v2 =	vld [tilespmem:s7+$0x2880];
	v4, _, _ =	vpop (xrf2)  }
0x16d: {  	(v2sf) =	vpush v4, $0xF;
	_ =	sdelay $0x1  }
0x16e: {  	v3 =	vld [tilespmem:s7+$0x2800];
	v4, _, _ =	vpop (xrf2)  }
0x16f: {  	(v2sf) =	vpush v4, $0xF  }
0x170: {  	(xrf2) =	vadd.scan.msk.f32 $0xffff, v2;
	_ =	sdelay $0x1  }
0x171: {  	v1 =	vmul.u32 $0xFFFFFFFF, v1  }
0x172: {  	(xrf2) =	vadd.scan.msk.f32 $0xffff, v3  }
0x173: {  	v1 =	vadd.s32 $0xF, v1  }
0x174: {  	v4 =	vperm.xlane v3, v1  }
0x175: {  	s8 =	simm.s32 $0x60;
	v2 =	vperm.xlane v2, v1  }
0x176: {  	v3 =	vld [tilespmem:s8+$0x2880];
	(xrf2) =	vadd.scan.msk.f32 $0xffff, v4;
	_ =	sdelay $0x1  }
0x177: {  	(xrf2) =	vadd.scan.msk.f32 $0xffff, v2  }
0x178: {  	v4 =	vld [tilespmem:s8+$0x2800];
	v2, _, _ =	vpop (xrf2)  }
0x179: {  	s9 =	spop (v2sf);
	(v2sf) =	vpush v2, $0xF  }
0x17a: {  	(xrf2) =	vadd.scan.msk.f32 $0xffff, v3  }
0x17b: {  	v63, _, _ =	vpop (xrf2)  }
0x17c: {  	s10 =	spop (v2sf);
	(v2sf) =	vpush v63, $0xF  }
0x17d: {  	(xrf2) =	vadd.scan.msk.f32 $0xffff, v4  }
0x17e: {  	v5 =	vperm.xlane v4, v1  }
0x17f: {  	v2, _, _ =	vpop (xrf2)  }
0x180: {  	s11 =	simm.s32 $0x50;
	s12 =	simm.s32 $0x100;
	v3 =	vperm.xlane v3, v1;
	(xrf2) =	vadd.scan.msk.f32 $0xffff, v5;
	v2 =	vperm.xlane v2, v1  }
.LBB2_7:
0x181: {  	p0 =	sne.s32 s12, $0x0;
	v4 =	vld [tilespmem:s11+$0x2880];
	v5, _, _ =	vpop (xrf2)  }
0x182: {  	v6 =	vld [tilespmem:s11+$0x2800];
	v2 =	vadd.f32 s9, v2;
	v5 =	vperm.xlane v5, v1  }
0x183: {  	(xrf2) =	vadd.scan.msk.f32 $0xffff, v3  }
0x184: {  	v3, _, _ =	vpop (xrf2);
	[tilespmem:s7+$0x2900] =	vst v2;
	v5 =	vadd.f32 s10, v5  }
0x185: {  	(v2sf) =	vpush v3, $0xF  }
0x186: {  	v3 =	vperm.xlane v4, v1;
	(xrf2) =	vadd.scan.msk.f32 $0xffff, v4;
	[tilespmem:s7+$0x2980] =	vst v5;
	s7 =	smov.u32 s8;
	s8 =	smov.u32 s11  }
0x187: {  	v4 =	vperm.xlane v6, v1;
	v2, _, _ =	vpop (xrf2)  }
.Ltmp3:
0x188: {  	(v2sf) =	vpush v2, $0xF;
	s11 =	spop (v2sf);
	(pc) =	sbr.rel @p0 .LBB2_7-.Ltmp3, $4  }
0x189: {  	(xrf2) =	vadd.scan.msk.f32 $0xffff, v6;
	s10 =	sadd.f32 s11, s10  }
0x18a: {  	v2, _, _ =	vpop (xrf2)  }
0x18b: {  	v2 =	vperm.xlane v2, v1;
	s13 =	spop (v2sf)  }
0x18c: {  	s11 =	sshra.s32 s12, $0x2;
	s12 =	sadd.s32 $0xFFFFFFC0, s12;
	(xrf2) =	vadd.scan.msk.f32 $0xffff, v4;
	s9 =	sadd.f32 s13, s9  }
0x18d: {  	v4 =	vld [tilespmem:s11+$0x2880]  }
0x18e: {  	v5 =	vld [tilespmem:s11+$0x2800];
	_ =	sdelay $0x2  }
0x18f: {  	(xrf2) =	vadd.scan.msk.f32 $0xffff, v3  }
0x190: {  	(xrf2) =	vadd.scan.msk.f32 $0xffff, v4  }
0x191: {  	v3, _, _ =	vpop (xrf2);
	(xrf2) =	vadd.scan.msk.f32 $0xffff, v5  }
0x192: {  	v6, _, _ =	vpop (xrf2)  }
0x193: {  	(v2sf) =	vpush v6, $0xF;
	v7, _, _ =	vpop (xrf2)  }
0x194: {  	(v2sf) =	vpush v7, $0xF  }
0x195: {  	v5 =	vperm.xlane v5, v1  }
0x196: {  	v4 =	vperm.xlane v4, v1  }
0x197: {  	(xrf2) =	vadd.scan.msk.f32 $0xffff, v5  }
0x198: {  	v6, _, _ =	vpop (xrf2);
	(xrf2) =	vadd.scan.msk.f32 $0xffff, v4  }
0x199: {  	v7, _, _ =	vpop (xrf2)  }
0x19a: {  	v5, _, _ =	vpop (xrf2)  }
0x19b: {  	(v2sf) =	vpush v5, $0xF;
	v4, _, _ =	vpop (xrf2)  }
0x19c: {  	(v2sf) =	vpush v4, $0xF;
	_ =	sdelay $0x2  }
0x19d: {  	s12 =	spop (v2sf)  }
0x19e: {  	v3 =	vperm.xlane v3, v1;
	s24 =	sadd.f32 s12, s10;
	s13 =	spop (v2sf);
	(xrf2) =	vadd.scan.msk.f32 $0xffff, v0;
	v0 =	vadd.f32 s9, v2  }
0x19f: {  	s22 =	sadd.f32 s13, s9;
	v2 =	vperm.xlane v6, v1;
	v5, _, _ =	vpop (xrf2)  }
0x1a0: {  	v3 =	vadd.f32 s10, v3;
	v4 =	vperm.xlane v7, v1;
	[tilespmem:s7+$0x2900] =	vst v0;
	s23 =	spop (v2sf);
	v0 =	vperm.xlane v5, v1;
	v5, _, _ =	vpop (xrf2)  }
0x1a1: {  	v2 =	vadd.f32 s22, v2;
	s26 =	sadd.f32 s23, s24;
	v1 =	vperm.xlane v5, v1;
	s25 =	spop (v2sf)  }
0x1a2: {  	[tilespmem:s7+$0x2980] =	vst v3;
	v3 =	vadd.f32 s24, v4;
	s9 =	sadd.f32 s25, s22  }
0x1a3: {  	[tilespmem:s8+$0x2900] =	vst v2;
	v1 =	vadd.f32 s26, v1  }
0x1a4: {  	[tilespmem:s8+$0x2980] =	vst v3;
	v0 =	vadd.f32 s9, v0  }
0x1a5: {  	[tilespmem:s11+$0x2980] =	vst v1  }
0x1a6: {  	s6 =	sadd.s32 s6, s4;
	s7 =	simm.s32 $0x2900;
	[tilespmem:s11+$0x2900] =	vst v0  }
0x1a7: {  	[spmem:s6] =	stream.linear.scatter [tilespmem:s7], [sflag:$0x2], $0x80, $0x38;
	[tilespmem:$0x55A8] =	vst v63  }
0x1a8: {  	s28 =	spop (v2sf)  }
0x1a9: {  	s7 =	simm.s32 $0x2;
	v0, _, _ =	vpop (xrf2);
	s29 =	spop (v2sf)  }
0x1aa: {  	_ =	swait.ge [sflag:s7], $0x80  }
0x1ab: {  	[sflag:s7] =	ssyncset.done $0x0  }
0x1ac: {  	s30 =	simm.s32 $0x2980;
	s6 =	sadd.s32 $0x80, s6;
	[sflag:s7] =	ssyncadd.s32 $0xFFFFFF80  }
0x1ad: {  	[spmem:s6] =	stream.linear.scatter [tilespmem:s30], [sflag:$0x2], $0x80, $0x38;
	[tilespmem:$0x55A8] =	vst v63  }
0x1ae: {  	_ =	swait.ge [sflag:s7], $0x80  }
0x1af: {  	p0 =	sne.s32 s5, $0x0;
	[sflag:s7] =	ssyncset.done $0x0  }
0x1b0: {  	s5 =	sadd.s32 @!p0 $0x1000, s4;
	s6 =	simm.s32 @!p0 $0x3B80;
	[sflag:s7] =	ssyncadd.s32 $0xFFFFFF80  }
0x1b1: {  	[spmem:s5] =	stream.linear.scatter @!p0 [tilespmem:s6], [sflag:$0x2], $0x80, $0x38;
	[tilespmem:$0x55A8] =	vst v63  }
0x1b2: {  	s5 =	simm.s32 @!p0 $0x2  }
0x1b3: {  	_ =	swait.ge @!p0 [sflag:s5], $0x80  }
0x1b4: {  	[sflag:s5] =	ssyncset.done @!p0 $0x0  }
0x1b5: {  	s8 =	sadd.s32 @!p0 $0x1080, s4;
	[sflag:s5] =	ssyncadd.s32 @!p0 $0xFFFFFF80  }
0x1b6: {  	[spmem:s8] =	stream.linear.scatter @!p0 [tilespmem:s6], [sflag:$0x2], $0x80, $0x38;
	[tilespmem:$0x55A8] =	vst v63  }
0x1b7: {  	_ =	swait.ge @!p0 [sflag:s5], $0x80  }
0x1b8: {  	[sflag:s5] =	ssyncset.done @!p0 $0x0  }
0x1b9: {  	[sflag:s5] =	ssyncadd.s32 @!p0 $0xFFFFFF80  }
0x1ba: {  	s5 =	simm.s32 $0x2A00;
	[bflag:$0x0] =	sbarrier.arrive $0xFFFF  }
0x1bb: {  	[tilespmem:s5], [sflag:$0x2] =	stream.linear.gather [spmem:s4], $0x1100, $0x38;
	[tilespmem:$0x55A8] =	vst v63  }
0x1bc: {  	_ =	swait.ge [sflag:s7], $0x1100  }
0x1bd: {  	[sflag:s7] =	ssyncset.done $0x0  }
0x1be: {  	s31 =	simm.s32 $0x0;
	[sflag:s7] =	ssyncadd.s32 $0xFFFFEF00  }
0x1bf: {  	v1 =	vld [tilespmem:s31+$0x0];
	_ =	sdelay $0x4  }
0x1c0: {  	v3 =	vadd.f32 $-5.000000000e-01, v1  }
0x1c1: {  	s8 =	simm.s32 $0x10  }
0x1c2: {  	v1 =	vld [tilespmem:s8+$0x0];
	v2 =	vadd.f32 $1.100000000e+01, v3;
	_ =	sdelay $0x1  }
0x1c3: {  	v2 =	vmul.f32 $9.525581350e+01, v2;
	_ =	sdelay $0x1  }
0x1c4: {  	v2 =	vtrunc.f32 v2  }
0x1c5: {  	s4 =	simm.s32 $0x20;
	v8 =	vadd.f32 $-5.000000000e-01, v1;
	v1 =	vcvt.f32.s32 v2  }
0x1c6: {  	v2 =	vld [tilespmem:s4+$0x0]  }
0x1c7: {  	v4 =	vadd.f32 $1.100000000e+01, v8;
	vm2 =	vgt.s32 v1, $0x0  }
0x1c8: {  	v1 =	vnsel vm2, $0x0, v1  }
0x1c9: {  	v4 =	vmul.f32 $9.525581350e+01, v4;
	v1 =	vmin.u32 v1, $0x7FF  }
0x1ca: {  	v5 =	vadd.s32 $0x1, v1  }
0x1cb: {  	s6 =	simm.s32 $0x30;
	v1 =	vadd.f32 $-5.000000000e-01, v2;
	v2 =	vtrunc.f32 v4;
	v4 =	vshll.u32 v5, $0x1  }
0x1cc: {  	v6 =	vld [tilespmem:s6+$0x0];
	v2 =	vcvt.f32.s32 v2;
	v5 =	vand.u32 $0x7F, v5;
	v4 =	vand.u32 $0x1F00, v4  }
0x1cd: {  	v7 =	vadd.f32 $1.100000000e+01, v1;
	v4 =	vor.u32 v5, v4  }
0x1ce: {  	vm2 =	vgt.s32 v2, $0x0  }
0x1cf: {  	v5 =	vmul.f32 $9.525581350e+01, v7;
	v2 =	vnsel vm2, $0x0, v2;
	v7 =	vor.u32 $0x80, v4  }
0x1d0: {  	s7 =	simm.s32 $0x40;
	v9 =	vmin.u32 v2, $0x7FF  }
0x1d1: {  	v2 =	vadd.f32 $-5.000000000e-01, v6;
	v6 =	vld [tilespmem:s7+$0x0];
	v5 =	vtrunc.f32 v5;
	v9 =	vadd.s32 $0x1, v9  }
0x1d2: {  	v5 =	vcvt.f32.s32 v5;
	v10 =	vshll.u32 v9, $0x1;
	v11 =	vld.idx.msk [tilespmem:v4+s5+$0x0], $0xffff  }
0x1d3: {  	v9 =	vand.u32 $0x7F, v9;
	v4 =	vadd.f32 $1.100000000e+01, v2;
	v10 =	vand.u32 $0x1F00, v10  }
0x1d4: {  	v9 =	vor.u32 v9, v10;
	v7 =	vld.idx.msk [tilespmem:v7+s5+$0x0], $0xffff;
	v10 =	vsub.f32 $0.0e+00, v3;
	vm2 =	vgt.s32 v5, $0x0  }
0x1d5: {  	v14 =	vld [tilespmem:s31+$0x400];
	v12 =	vmul.f32 $9.525581350e+01, v4;
	v5 =	vnsel vm2, $0x0, v5;
	v13 =	vor.u32 $0x80, v9  }
0x1d6: {  	v8 =	vsub.f32 $0.0e+00, v8;
	v4 =	vadd.f32 $-5.000000000e-01, v6;
	v5 =	vmin.u32 v5, $0x7FF  }
0x1d7: {  	s9 =	simm.s32 $0x50;
	v6 =	vtrunc.f32 v12;
	v15 =	vadd.s32 $0x1, v5;
	v16 =	vmul.f32 v10, v11  }
0x1d8: {  	v12 =	vadd.f32 $1.100000000e+01, v4;
	v10 =	vld [tilespmem:s9+$0x0];
	v11 =	vcvt.f32.s32 v6;
	v6 =	vshll.u32 v15, $0x1  }
0x1d9: {  	v5 =	vld.idx.msk [tilespmem:v9+s5+$0x0], $0xffff;
	v9 =	vand.u32 $0x7F, v15;
	v6 =	vand.u32 $0x1F00, v6;
	v7 =	vadd.f32 v7, v16  }
0x1da: {  	s3 =	sadd.s32 s3, s2;
	s10 =	simm.s32 $0x180;
	v3 =	vimm.f32 $0.0e+00;
	vm2 =	veq.s32 v14, $0x1;
	v9 =	vor.u32 v9, v6;
	v6 =	vld.idx.msk [tilespmem:v13+s5+$0x0], $0xffff  }
.LBB2_9:
0x1db: {  	p1 =	sne.s32 s10, $0xFC0;
	v12 =	vmul.f32 $9.525581350e+01, v12;
	vm3 =	vgt.s32 v11, $0x0;
	v7 =	vnsel vm2, $0x0, v7;
	v13 =	vmovc v4  }
0x1dc: {  	v14 =	vor.u32 $0x80, v9;
	v11 =	vnsel vm3, $0x0, v11;
	v15 =	vld [tilespmem:s8+$0x400];
	v3 =	vadd.f32 v7, v3;
	s8 =	smov.u32 s4;
	s4 =	smov.u32 s6;
	s6 =	smov.u32 s7  }
.Ltmp4:
0x1dd: {  	v4 =	vadd.f32 $-5.000000000e-01, v10;
	s7 =	smov.u32 s9;
	s9 =	sshra.s32 s10, $0x2;
	v7 =	vmin.u32 v11, $0x7FF;
	(pc) =	sbr.rel @p1 .LBB2_9-.Ltmp4, $4  }
0x1de: {  	v11 =	vtrunc.f32 v12;
	v8 =	vmul.f32 v8, v5;
	v10 =	vld [tilespmem:s9+$0x0];
	v7 =	vadd.s32 $0x1, v7  }
0x1df: {  	v12 =	vadd.f32 $1.100000000e+01, v4;
	v11 =	vcvt.f32.s32 v11;
	v16 =	vshll.u32 v7, $0x1;
	v5 =	vld.idx.msk [tilespmem:v9+s5+$0x0], $0xffff  }
0x1e0: {  	v9 =	vand.u32 $0x7F, v7;
	v7 =	vadd.f32 v6, v8;
	v16 =	vand.u32 $0x1F00, v16  }
0x1e1: {  	s10 =	sadd.s32 $0x40, s10;
	v8 =	vsub.f32 $0.0e+00, v1;
	v1 =	vmovc v2;
	v2 =	vmovc v13;
	v9 =	vor.u32 v9, v16;
	v6 =	vld.idx.msk [tilespmem:v14+s5+$0x0], $0xffff;
	vm2 =	veq.s32 v15, $0x1  }
0x1e2: {  	_ = 	snop  }
0x1e3: {  	v10 =	vadd.f32 $-5.000000000e-01, v10;
	_ =	sdelay $0x1  }
0x1e4: {  	v12 =	vmul.f32 $9.525581350e+01, v12;
	v13 =	vadd.f32 $1.100000000e+01, v10;
	_ =	sdelay $0x1  }
0x1e5: {  	vm3 =	vgt.s32 v11, $0x0;
	v12 =	vtrunc.f32 v12;
	v13 =	vmul.f32 $9.525581350e+01, v13  }
0x1e6: {  	v11 =	vnsel vm3, $0x0, v11;
	v12 =	vcvt.f32.s32 v12  }
0x1e7: {  	v14 =	vor.u32 $0x80, v9;
	v11 =	vmin.u32 v11, $0x7FF;
	v13 =	vtrunc.f32 v13  }
0x1e8: {  	v11 =	vadd.s32 $0x1, v11;
	vm9 =	vgt.s32 v12, $0x0;
	v13 =	vcvt.f32.s32 v13  }
0x1e9: {  	v15 =	vshll.u32 v11, $0x1;
	v11 =	vand.u32 $0x7F, v11;
	v12 =	vnsel vm9, $0x0, v12  }
0x1ea: {  	v15 =	vand.u32 $0x1F00, v15;
	v12 =	vmin.u32 v12, $0x7FF;
	vm10 =	vgt.s32 v13, $0x0  }
0x1eb: {  	v11 =	vor.u32 v11, v15;
	v12 =	vadd.s32 $0x1, v12;
	v13 =	vnsel vm10, $0x0, v13  }
0x1ec: {  	v47 =	vld [tilespmem:s8+$0x400];
	v16 =	vor.u32 $0x80, v11;
	v17 =	vshll.u32 v12, $0x1;
	v13 =	vmin.u32 v13, $0x7FF  }
0x1ed: {  	v48 =	vld.idx.msk [tilespmem:v9+s5+$0x0], $0xffff;
	v12 =	vand.u32 $0x7F, v12;
	v17 =	vand.u32 $0x1F00, v17;
	v13 =	vadd.s32 $0x1, v13  }
0x1ee: {  	v18 =	vld [tilespmem:s4+$0x400];
	v12 =	vor.u32 v12, v17;
	v49 =	vshll.u32 v13, $0x1  }
0x1ef: {  	v51 =	vld [tilespmem:s6+$0x400];
	v19 =	vor.u32 $0x80, v12;
	v13 =	vand.u32 $0x7F, v13;
	v17 =	vand.u32 $0x1F00, v49  }
0x1f0: {  	v14 =	vld.idx.msk [tilespmem:v14+s5+$0x0], $0xffff;
	v13 =	vor.u32 v13, v17  }
0x1f1: {  	v11 =	vld.idx.msk [tilespmem:v11+s5+$0x0], $0xffff  }
0x1f2: {  	v1 =	vsub.f32 $0.0e+00, v1;
	v5 =	vmul.f32 v8, v5;
	v50 =	vld.idx.msk [tilespmem:v16+s5+$0x0], $0xffff;
	v17 =	vor.u32 $0x80, v13  }
0x1f3: {  	v7 =	vnsel vm2, $0x0, v7;
	v52 =	vld.idx.msk [tilespmem:v12+s5+$0x0], $0xffff  }
0x1f4: {  	v2 =	vsub.f32 $0.0e+00, v2;
	v5 =	vadd.f32 v6, v5;
	v1 =	vmul.f32 v1, v48;
	v53 =	vld.idx.msk [tilespmem:v19+s5+$0x0], $0xffff  }
0x1f5: {  	v4 =	vsub.f32 $0.0e+00, v4;
	v3 =	vadd.f32 v7, v3;
	vm11 =	veq.s32 v47, $0x1;
	v54 =	vld.idx.msk [tilespmem:v13+s5+$0x0], $0xffff  }
0x1f6: {  	v55 =	vld [tilespmem:s7+$0x400];
	v5 =	vnsel vm11, $0x0, v5;
	v1 =	vadd.f32 v14, v1;
	v2 =	vmul.f32 v2, v11  }
0x1f7: {  	v57 =	vsub.f32 $0.0e+00, v10;
	vm12 =	veq.s32 v18, $0x1;
	v3 =	vadd.f32 v5, v3;
	v56 =	vld.idx.msk [tilespmem:v17+s5+$0x0], $0xffff  }
0x1f8: {  	v58 =	vld [tilespmem:s9+$0x400];
	v1 =	vnsel vm12, $0x0, v1;
	v2 =	vadd.f32 v50, v2;
	v4 =	vmul.f32 v4, v52  }
0x1f9: {  	vm13 =	veq.s32 v51, $0x1;
	v1 =	vadd.f32 v1, v3  }
0x1fa: {  	v2 =	vnsel vm13, $0x0, v2;
	v59 =	vadd.f32 v53, v4;
	v60 =	vmul.f32 v57, v54  }
0x1fb: {  	vm14 =	veq.s32 v55, $0x1;
	v1 =	vadd.f32 v2, v1  }
0x1fc: {  	v61 =	vnsel vm14, $0x0, v59;
	v62 =	vadd.f32 v56, v60  }
0x1fd: {  	vm15 =	veq.s32 v58, $0x1;
	v1 =	vadd.f32 v61, v1  }
0x1fe: {  	v63 =	vnsel vm15, $0x0, v62  }
0x1ff: {  	v1 =	vadd.f32 v63, v1;
	_ =	sdelay $0x1  }
0x200: {  	(xrf2) =	vadd.scan.msk.f32 $0xffff, v1;
	_ =	sdelay $0x9  }
0x201: {  	v0 =	vbroadcast v0, $0xF;
	v1, _, _ =	vpop (xrf2)  }
0x202: {  	v1 =	vbroadcast v1, $0xF  }
0x203: {  	v0 =	vnsel vm0, $0x0, v0  }
0x204: {  	v0 =	vsel vm1, v0, v1  }
0x205: {  	s30 =	simm.s32 $0x3B00;
	s31 =	simm.s32 $0x2;
	[tilespmem:$0x3B00] =	vst v0  }
0x206: {  	[spmem:s3] =	stream.linear.scatter [tilespmem:s30], [sflag:$0x2], $0x80, $0x38;
	[tilespmem:$0x55A8] =	vst v63  }
0x207: {  	_ =	swait.ge [sflag:s31], $0x80  }
0x208: {  	[sflag:s31] =	ssyncset.done $0x0  }
0x209: {  	[sflag:s31] =	ssyncadd.s32 $0xFFFFFF80  }
0x20a: {  	[bflag:$0x0] =	sbarrier.arrive $0xFFFF  }
0x20b: {  	_ =	sfence.sel @p0 $0x180000  }
0x20c: {  	[bflag:$0x0] =	sbarrier.arrive @p0 $0xFFFF  }
0x20d: {  	v0 =	vlaneseq.u32 @!p0;
	_ =	strace @p0 $0x90000047  }
0x20e: {  	s3 =	simm.s32 @!p0 $0x3C80;
	v0 =	vmul.u32 @!p0 $0x80, v0;
	[bflag:$0x2] =	sbarrier.arrive @p0 $0xFFFF  }
0x20f: {  	[tilespmem:s3], [sflag:$0x2] =	stream.linear.gather @!p0 [spmem:s2], $0x800, $0x38;
	[tilespmem:$0x55A8] =	vst v63  }
0x210: {  	v1 =	vor.u32 @!p0 $0x1, v0;
	s2 =	simm.s32 @!p0 $0x2  }
0x211: {  	_ =	swait.ge @!p0 [sflag:s2], $0x800  }
0x212: {  	[sflag:s2] =	ssyncset.done @!p0 $0x0  }
0x213: {  	[sflag:s2] =	ssyncadd.s32 @!p0 $0xFFFFF800  }
0x214: {  	v0 =	vld.idx.msk @!p0 [tilespmem:v0+s3+$0x0], $0xffff  }
0x215: {  	v1 =	vld.idx.msk @!p0 [tilespmem:v1+s3+$0x0], $0xffff;
	_ =	sdelay $0x3  }
0x216: {  	(xrf2) =	vadd.scan.msk.f32 @!p0 $0xffff, v0  }
0x217: {  	(xrf2) =	vadd.scan.msk.f32 @!p0 $0xffff, v1;
	_ =	sdelay $0x8  }
0x218: {  	v0, _, _ =	vpop @!p0 (xrf2)  }
0x219: {  	v1, _, _ =	vpop @!p0 (xrf2)  }
0x21a: {  	(v2sf) =	vpush @!p0 v1, $0xF;
	_ =	sdelay $0xe  }
0x21b: {  	s3 =	spop @!p0 (v2sf)  }
0x21c: {  	s4 =	ssub.f32 @!p0 $1.638400000e+04, s3;
	_ =	sdelay $0x1  }
0x21d: {  	s3 =	smul.f32 @!p0 s4, s3;
	_ =	sdelay $0x1  }
0x21e: {  	v1 =	vmov @!p0 s3  }
0x21f: {  	v2 =	vmax.f32 @!p0 v1, $1.000000000e+00  }
0x220: {  	(erf) = vrcp.f32 @!p0 v2;
	_ =	sdelay $0x7  }
0x221: {  	v0 =	vbroadcast @!p0 v0, $0xF  }
0x222: {  	v2 =	vpop @!p0 (erf)  }
0x223: {  	v0 =	vmul.f32 @!p0 v2, v0  }
0x224: {  	vm0 =	vgt.f32 @!p0 v1, $0.0e+00  }
0x225: {  	v0 =	vnsel @!p0 vm0, $0x0, v0;
	vm0 =	vmmov @!p0 $0x1  }
0x226: {  	v0 =	vnsel @!p0 vm0, $0x0, v0  }
0x227: {  	s4 =	simm.s32 @!p0 $0x3C00;
	s3 =	simm.s32 @!p0 $0x0;
	[tilespmem:$0x3C00] =	vst @!p0 v0  }
0x228: {  	[hbm4b:s1+s3] =	stream.linear.scatter @!p0 [tilespmem:s4], [sflag:$0x2], $0x80, $0x38;
	[tilespmem:$0x55A8] =	vst v63  }
0x229: {  	_ =	swait.ge @!p0 [sflag:s2], $0x80  }
0x22a: {  	[sflag:s2] =	ssyncset.done @!p0 $0x0  }
0x22b: {  	[sflag:s2] =	ssyncadd.s32 @!p0 $0xFFFFFF80  }
0x22c: {  	_ =	sfence.sel @!p0 $0x180000  }
0x22d: {  	[bflag:$0x0] =	sbarrier.arrive @!p0 $0xFFFF  }
0x22e: {  	_ =	strace @!p0 $0x90000047  }
0x22f: {  	s0 =	sadd.s32 @!p0 $0x100000, s0;
	[bflag:$0x2] =	sbarrier.arrive @!p0 $0xFFFF  }
0x230: {  	[sflag:s0] =	ssyncadd.tile.s32 @!p0 $0x1;
	_ =	shalt  }
.Lfunc_end2:
_tile_overlayer_lowered:
.L_overlay_start_2:
0x231: {  	(tag) =	ssettag $0x2  }
0x232: {  	s0 =	rddreg [dreg:$0x0];
	s2 =	stileid.u32  }
0x233: {  	s1 =	rddreg [dreg:$0x1];
	p0 =	sne.s32 s2, $0x0  }
0x234: {  	s3 =	rddreg [dreg:$0x2];
	[bflag:$0x3] =	sbarrier.arrive $0xFFFF;
	s2 =	simm.s32 @!p0 $0x1C02  }
0x235: {  	[timem:s3], [sflag:s2] =	dma.local @!p0 [hbm:s0], s1  }
0x236: {  	s0 =	simm.s32 @!p0 $0x2  }
0x237: {  	_ =	swait.ge @!p0 [sflag:s0], s1  }
0x238: {  	s1 =	ssub.s32 @!p0 $0x0, s1;
	[sflag:s0] =	ssyncset.done @!p0 $0x0  }
0x239: {  	[sflag:s0] =	ssyncadd.s32 @!p0 s1  }
0x23a: {  	[bflag:$0x3] =	sbarrier.arrive $0xFFFF  }
0x23b: {  	_ =	shalt  }

</sc_bundles>
